<compile_context>
chip_gen: v7x
topology: tpu7x:2x2x1
jax: 0.10.2.dev20260603
libtpu: 0.0.44.dev20260713+nightly
codegen_flags: <defaults>
</compile_context>

<pallas_src>
import jax
import jax.numpy as jnp
from jax import lax
from jax.experimental import pallas as pl
from jax.experimental.pallas import tpu as pltpu
from jax.experimental.pallas import tpu_sc as plsc

_NC = 2
_NS = 16
_NW = _NC * _NS

_BATCH = 16384
_HIST = 50
_D = 64
_BP = _BATCH // _NW
_CHUNK = 256
_CPH = _BP // _CHUNK
_N_CHUNKS = _HIST * _CPH
_NBUF = 4


def _gather_body(idx_hbm, table_hbm, out_hbm, idx_v, rows_v,
                 sg0, sg1, sg2, sg3, sw0, sw1, sw2, sw3):
    sg = (sg0, sg1, sg2, sg3)
    sw = (sw0, sw1, sw2, sw3)
    wid = lax.axis_index("s") * _NC + lax.axis_index("c")
    bbase = wid * _BP

    pltpu.sync_copy(idx_hbm.at[:, pl.ds(bbase, _BP)], idx_v)

    def g_desc(k, b):
        h = k // _CPH
        boff = (k % _CPH) * _CHUNK
        return pltpu.make_async_copy(
            table_hbm.at[idx_v.at[h, pl.ds(boff, _CHUNK)]],
            rows_v.at[b], sg[b])

    def w_desc(k, b):
        h = k // _CPH
        boff = (k % _CPH) * _CHUNK
        return pltpu.make_async_copy(
            rows_v.at[b],
            out_hbm.at[h, pl.ds(bbase + boff, _CHUNK)], sw[b])

    g_desc(0, 0).start()
    g_desc(1, 1).start()
    g_desc(2, 2).start()
    g_desc(3, 3).start()
    g_desc(0, 0).wait()
    w_desc(0, 0).start()

    @pl.loop(0, (_N_CHUNKS - 4) // 4)
    def _grp(i):
        for b in range(4):
            k = 4 * i + 1 + b
            w_desc(k - 1, b).wait()
            g_desc(k + 3, b).start()
            g_desc(k, (b + 1) % 4).wait()
            w_desc(k, (b + 1) % 4).start()

    kk = _N_CHUNKS - 3
    w_desc(kk - 1, 0).wait()
    for k, b in ((kk, 1), (kk + 1, 2), (kk + 2, 3)):
        g_desc(k, b).wait()
        w_desc(k, b).start()
    for k, b in ((kk, 1), (kk + 1, 2), (kk + 2, 3)):
        w_desc(k, b).wait()


_gather = pl.kernel(
    _gather_body,
    out_type=jax.ShapeDtypeStruct((_HIST, _BATCH, _D), jnp.float32),
    mesh=plsc.VectorSubcoreMesh(core_axis_name="c", subcore_axis_name="s"),
    scratch_types=[
        pltpu.VMEM((_HIST, _BP), jnp.int32),
        pltpu.VMEM((_NBUF, _CHUNK, _D), jnp.float32),
    ] + [pltpu.SemaphoreType.DMA] * (2 * _NBUF),
    compiler_params=pltpu.CompilerParams(use_tc_tiling_on_sc=False),
)


def kernel(token_ids, weights):
    ids_hm = jnp.swapaxes(token_ids, 0, 1)
    out_hm = _gather(ids_hm, weights)
    return jnp.transpose(out_hm, (1, 0, 2))

# --- scband reference (transcript-rebuilt; emitter-appended) ---
"""Pipeline reference for scband-embedding-37477884624905 (READ-ONLY COPY).

The authoritative reference and input builder live on the scoring server;
editing this copy changes nothing except your own understanding.
"""

import jax, jax.numpy as jnp
import numpy as np

VOCAB = 1000000
D_MODEL = 64
BATCH = 16384
HIST = 50

def setup_inputs(seed: int = 0) -> dict:
    key = jax.random.key(seed)
    k1, k2 = jax.random.split(key)
    token_ids = jax.random.randint(k1, (BATCH, HIST), 0, VOCAB, dtype=jnp.int64 if jax.config.jax_enable_x64 else jnp.int32)
    # trunc_normal(0, 1, -3, 3) approximated via truncated normal sampling
    weights = jax.random.truncated_normal(k2, -3.0, 3.0, (VOCAB, D_MODEL), dtype=jnp.float32)
    return {"token_ids": token_ids, "weights": weights}

def reference(token_ids, weights):
    # Faithful translation of: return self.weights[token_ids]
    return jnp.take(weights, token_ids, axis=0)

if __name__ == "__main__":
    import jax
    _d = setup_inputs()
    print(jax.jit(kernel)(*tuple(_d.values())))

</pallas_src>

<mosaic_0001>
#map = affine_map<(d0, d1) -> (0, 0)>
#map1 = affine_map<(d0, d1) -> (0, 0, 0)>
module attributes {stable_mosaic.version = 14 : i64} {
  func.func @_gather_body(%arg0: i32, %arg1: i32, %arg2: memref<50x16384xi32, #tpu.memory_space<hbm>>, %arg3: memref<1000000x64xf32, #tpu.memory_space<hbm>>, %arg4: memref<50x16384x64xf32, #tpu.memory_space<hbm>>, %arg5: memref<50x512xi32, #tpu.memory_space<vmem>>, %arg6: memref<4x256x64xf32, #tpu.memory_space<vmem>>, %arg7: memref<!tpu.dma_semaphore, #tpu.memory_space<semaphore_mem>>, %arg8: memref<!tpu.dma_semaphore, #tpu.memory_space<semaphore_mem>>, %arg9: memref<!tpu.dma_semaphore, #tpu.memory_space<semaphore_mem>>, %arg10: memref<!tpu.dma_semaphore, #tpu.memory_space<semaphore_mem>>, %arg11: memref<!tpu.dma_semaphore, #tpu.memory_space<semaphore_mem>>, %arg12: memref<!tpu.dma_semaphore, #tpu.memory_space<semaphore_mem>>, %arg13: memref<!tpu.dma_semaphore, #tpu.memory_space<semaphore_mem>>, %arg14: memref<!tpu.dma_semaphore, #tpu.memory_space<semaphore_mem>>) attributes {dimension_semantics = [#tpu.dimension_semantics<core_parallel>, #tpu.dimension_semantics<subcore_parallel>], iteration_bounds = array<i64: 2, 16>, scalar_prefetch = 0 : i64, scratch_operands = 10 : i64, tpu.core_type = #tpu.core_type<sc_vector_subcore>, window_params = [{transform_indices = #map}, {transform_indices = #map}, {transform_indices = #map1}]} {
    %mul3A = arith.constant 2 : i32
    %mul3A_0 = arith.muli %arg1, %mul3A : i32
    %add3A = arith.addi %mul3A_0, %arg0 : i32
    %mul3A_1 = arith.constant 512 : i32
    %mul3A_2 = arith.muli %add3A, %mul3A_1 : i32
    "tpu.region"() ({
      %run_scoped3A = tpu.sem_alloc : memref<!tpu.dma_semaphore, #tpu.memory_space<semaphore_mem>>
      %dma_start3A_245 = arith.constant 0 : i32
      %dma_start3A_246 = tpu.memref_slice %arg2[%dma_start3A_245, %mul3A_2] : memref<50x16384xi32, #tpu.memory_space<hbm>> -> memref<50x512xi32, #tpu.memory_space<hbm>>
      %dma_start3A_247 = arith.constant 0 : i32
      %dma_start3A_248 = tpu.memref_slice %arg2[%dma_start3A_247, %mul3A_2] : memref<50x16384xi32, #tpu.memory_space<hbm>> -> memref<50x512xi32, #tpu.memory_space<hbm>>
      tpu.enqueue_dma source(%dma_start3A_248 : memref<50x512xi32, #tpu.memory_space<hbm>>) target(%arg5 : memref<50x512xi32, #tpu.memory_space<vmem>>) target_semaphore(%run_scoped3A : memref<!tpu.dma_semaphore, #tpu.memory_space<semaphore_mem>>)
      %dma_wait3A_249 = arith.constant 0 : i32
      %dma_wait3A_250 = tpu.memref_slice %arg2[%dma_wait3A_249, %mul3A_2] : memref<50x16384xi32, #tpu.memory_space<hbm>> -> memref<50x512xi32, #tpu.memory_space<hbm>>
      %dma_wait3A_251 = arith.constant 0 : i32
      %dma_wait3A_252 = tpu.memref_slice %arg2[%dma_wait3A_251, %mul3A_2] : memref<50x16384xi32, #tpu.memory_space<hbm>> -> memref<50x512xi32, #tpu.memory_space<hbm>>
      tpu.wait_dma2 semaphore(%run_scoped3A : memref<!tpu.dma_semaphore, #tpu.memory_space<semaphore_mem>>) src(%dma_wait3A_252 : memref<50x512xi32, #tpu.memory_space<hbm>>) dst(%arg5 : memref<50x512xi32, #tpu.memory_space<vmem>>)
      tpu.yield
    }) : () -> ()
    %dma_start3A = arith.constant 0 : i32
    %dma_start3A_3 = arith.constant 0 : i32
    %dma_start3A_4 = arith.constant 0 : i32
    %dma_start3A_5 = arith.constant 0 : i32
    %dma_start3A_6 = tpu.memref_slice %arg6[%dma_start3A_3, %dma_start3A_4, %dma_start3A_5] : memref<4x256x64xf32, #tpu.memory_space<vmem>> -> memref<1x256x64xf32, #tpu.memory_space<vmem>>
    %dma_start3A_7 = tpu.memref_squeeze %dma_start3A_6 : memref<1x256x64xf32, #tpu.memory_space<vmem>> -> memref<256x64xf32, #tpu.memory_space<vmem>>
    %dma_start3A_8 = arith.constant 0 : i32
    %dma_start3A_9 = tpu.memref_slice %arg5[%dma_start3A, %dma_start3A_8] : memref<50x512xi32, #tpu.memory_space<vmem>> -> memref<1x256xi32, #tpu.memory_space<vmem>>
    %dma_start3A_10 = tpu.memref_squeeze %dma_start3A_9 : memref<1x256xi32, #tpu.memory_space<vmem>> -> memref<256xi32, #tpu.memory_space<vmem>>
    %dma_start3A_11 = arith.constant 0 : i32
    %dma_start3A_12 = arith.constant 0 : i32
    %dma_start3A_13 = tpu.memref_slice %arg3[%dma_start3A_11, %dma_start3A_12] : memref<1000000x64xf32, #tpu.memory_space<hbm>> -> memref<1000000x64xf32, #tpu.memory_space<hbm>>
    tpu.enqueue_indirect_dma source(%dma_start3A_13 : memref<1000000x64xf32, #tpu.memory_space<hbm>>) target(%dma_start3A_7 : memref<256x64xf32, #tpu.memory_space<vmem>>) offsets(%dma_start3A_10 : memref<256xi32, #tpu.memory_space<vmem>>) semaphore(%arg7 : memref<!tpu.dma_semaphore, #tpu.memory_space<semaphore_mem>>)
    %dma_start3A_14 = arith.constant 0 : i32
    %dma_start3A_15 = arith.constant 1 : i32
    %dma_start3A_16 = arith.constant 0 : i32
    %dma_start3A_17 = arith.constant 0 : i32
    %dma_start3A_18 = tpu.memref_slice %arg6[%dma_start3A_15, %dma_start3A_16, %dma_start3A_17] : memref<4x256x64xf32, #tpu.memory_space<vmem>> -> memref<1x256x64xf32, #tpu.memory_space<vmem>>
    %dma_start3A_19 = tpu.memref_squeeze %dma_start3A_18 : memref<1x256x64xf32, #tpu.memory_space<vmem>> -> memref<256x64xf32, #tpu.memory_space<vmem>>
    %dma_start3A_20 = arith.constant 256 : i32
    %dma_start3A_21 = tpu.memref_slice %arg5[%dma_start3A_14, %dma_start3A_20] : memref<50x512xi32, #tpu.memory_space<vmem>> -> memref<1x256xi32, #tpu.memory_space<vmem>>
    %dma_start3A_22 = tpu.memref_squeeze %dma_start3A_21 : memref<1x256xi32, #tpu.memory_space<vmem>> -> memref<256xi32, #tpu.memory_space<vmem>>
    %dma_start3A_23 = arith.constant 0 : i32
    %dma_start3A_24 = arith.constant 0 : i32
    %dma_start3A_25 = tpu.memref_slice %arg3[%dma_start3A_23, %dma_start3A_24] : memref<1000000x64xf32, #tpu.memory_space<hbm>> -> memref<1000000x64xf32, #tpu.memory_space<hbm>>
    tpu.enqueue_indirect_dma source(%dma_start3A_25 : memref<1000000x64xf32, #tpu.memory_space<hbm>>) target(%dma_start3A_19 : memref<256x64xf32, #tpu.memory_space<vmem>>) offsets(%dma_start3A_22 : memref<256xi32, #tpu.memory_space<vmem>>) semaphore(%arg8 : memref<!tpu.dma_semaphore, #tpu.memory_space<semaphore_mem>>)
    %dma_start3A_26 = arith.constant 1 : i32
    %dma_start3A_27 = arith.constant 2 : i32
    %dma_start3A_28 = arith.constant 0 : i32
    %dma_start3A_29 = arith.constant 0 : i32
    %dma_start3A_30 = tpu.memref_slice %arg6[%dma_start3A_27, %dma_start3A_28, %dma_start3A_29] : memref<4x256x64xf32, #tpu.memory_space<vmem>> -> memref<1x256x64xf32, #tpu.memory_space<vmem>>
    %dma_start3A_31 = tpu.memref_squeeze %dma_start3A_30 : memref<1x256x64xf32, #tpu.memory_space<vmem>> -> memref<256x64xf32, #tpu.memory_space<vmem>>
    %dma_start3A_32 = arith.constant 0 : i32
    %dma_start3A_33 = tpu.memref_slice %arg5[%dma_start3A_26, %dma_start3A_32] : memref<50x512xi32, #tpu.memory_space<vmem>> -> memref<1x256xi32, #tpu.memory_space<vmem>>
    %dma_start3A_34 = tpu.memref_squeeze %dma_start3A_33 : memref<1x256xi32, #tpu.memory_space<vmem>> -> memref<256xi32, #tpu.memory_space<vmem>>
    %dma_start3A_35 = arith.constant 0 : i32
    %dma_start3A_36 = arith.constant 0 : i32
    %dma_start3A_37 = tpu.memref_slice %arg3[%dma_start3A_35, %dma_start3A_36] : memref<1000000x64xf32, #tpu.memory_space<hbm>> -> memref<1000000x64xf32, #tpu.memory_space<hbm>>
    tpu.enqueue_indirect_dma source(%dma_start3A_37 : memref<1000000x64xf32, #tpu.memory_space<hbm>>) target(%dma_start3A_31 : memref<256x64xf32, #tpu.memory_space<vmem>>) offsets(%dma_start3A_34 : memref<256xi32, #tpu.memory_space<vmem>>) semaphore(%arg9 : memref<!tpu.dma_semaphore, #tpu.memory_space<semaphore_mem>>)
    %dma_start3A_38 = arith.constant 1 : i32
    %dma_start3A_39 = arith.constant 3 : i32
    %dma_start3A_40 = arith.constant 0 : i32
    %dma_start3A_41 = arith.constant 0 : i32
    %dma_start3A_42 = tpu.memref_slice %arg6[%dma_start3A_39, %dma_start3A_40, %dma_start3A_41] : memref<4x256x64xf32, #tpu.memory_space<vmem>> -> memref<1x256x64xf32, #tpu.memory_space<vmem>>
    %dma_start3A_43 = tpu.memref_squeeze %dma_start3A_42 : memref<1x256x64xf32, #tpu.memory_space<vmem>> -> memref<256x64xf32, #tpu.memory_space<vmem>>
    %dma_start3A_44 = arith.constant 256 : i32
    %dma_start3A_45 = tpu.memref_slice %arg5[%dma_start3A_38, %dma_start3A_44] : memref<50x512xi32, #tpu.memory_space<vmem>> -> memref<1x256xi32, #tpu.memory_space<vmem>>
    %dma_start3A_46 = tpu.memref_squeeze %dma_start3A_45 : memref<1x256xi32, #tpu.memory_space<vmem>> -> memref<256xi32, #tpu.memory_space<vmem>>
    %dma_start3A_47 = arith.constant 0 : i32
    %dma_start3A_48 = arith.constant 0 : i32
    %dma_start3A_49 = tpu.memref_slice %arg3[%dma_start3A_47, %dma_start3A_48] : memref<1000000x64xf32, #tpu.memory_space<hbm>> -> memref<1000000x64xf32, #tpu.memory_space<hbm>>
    tpu.enqueue_indirect_dma source(%dma_start3A_49 : memref<1000000x64xf32, #tpu.memory_space<hbm>>) target(%dma_start3A_43 : memref<256x64xf32, #tpu.memory_space<vmem>>) offsets(%dma_start3A_46 : memref<256xi32, #tpu.memory_space<vmem>>) semaphore(%arg10 : memref<!tpu.dma_semaphore, #tpu.memory_space<semaphore_mem>>)
    %dma_wait3A = arith.constant 0 : i32
    %dma_wait3A_50 = arith.constant 0 : i32
    %dma_wait3A_51 = arith.constant 0 : i32
    %dma_wait3A_52 = arith.constant 0 : i32
    %dma_wait3A_53 = tpu.memref_slice %arg6[%dma_wait3A_50, %dma_wait3A_51, %dma_wait3A_52] : memref<4x256x64xf32, #tpu.memory_space<vmem>> -> memref<1x256x64xf32, #tpu.memory_space<vmem>>
    %dma_wait3A_54 = tpu.memref_squeeze %dma_wait3A_53 : memref<1x256x64xf32, #tpu.memory_space<vmem>> -> memref<256x64xf32, #tpu.memory_space<vmem>>
    %dma_wait3A_55 = arith.constant 0 : i32
    %dma_wait3A_56 = tpu.memref_slice %arg5[%dma_wait3A, %dma_wait3A_55] : memref<50x512xi32, #tpu.memory_space<vmem>> -> memref<1x256xi32, #tpu.memory_space<vmem>>
    %dma_wait3A_57 = tpu.memref_squeeze %dma_wait3A_56 : memref<1x256xi32, #tpu.memory_space<vmem>> -> memref<256xi32, #tpu.memory_space<vmem>>
    %dma_wait3A_58 = arith.constant 0 : i32
    %dma_wait3A_59 = arith.constant 0 : i32
    %dma_wait3A_60 = tpu.memref_slice %arg3[%dma_wait3A_58, %dma_wait3A_59] : memref<1000000x64xf32, #tpu.memory_space<hbm>> -> memref<1000000x64xf32, #tpu.memory_space<hbm>>
    tpu.wait_indirect_dma semaphore(%arg7 : memref<!tpu.dma_semaphore, #tpu.memory_space<semaphore_mem>>) src(%dma_wait3A_60 : memref<1000000x64xf32, #tpu.memory_space<hbm>>) dst(%dma_wait3A_54 : memref<256x64xf32, #tpu.memory_space<vmem>>)
    %add3A_61 = arith.constant 0 : i32
    %add3A_62 = arith.addi %mul3A_2, %add3A_61 : i32
    %dma_start3A_63 = arith.constant 0 : i32
    %dma_start3A_64 = arith.constant 0 : i32
    %dma_start3A_65 = arith.constant 0 : i32
    %dma_start3A_66 = arith.constant 0 : i32
    %dma_start3A_67 = tpu.memref_slice %arg6[%dma_start3A_63, %dma_start3A_65, %dma_start3A_66] : memref<4x256x64xf32, #tpu.memory_space<vmem>> -> memref<1x256x64xf32, #tpu.memory_space<vmem>>
    %dma_start3A_68 = tpu.memref_squeeze %dma_start3A_67 : memref<1x256x64xf32, #tpu.memory_space<vmem>> -> memref<256x64xf32, #tpu.memory_space<vmem>>
    %dma_start3A_69 = arith.constant 0 : i32
    %dma_start3A_70 = tpu.memref_slice %arg4[%dma_start3A_64, %add3A_62, %dma_start3A_69] : memref<50x16384x64xf32, #tpu.memory_space<hbm>> -> memref<1x256x64xf32, #tpu.memory_space<hbm>>
    %dma_start3A_71 = tpu.memref_squeeze %dma_start3A_70 : memref<1x256x64xf32, #tpu.memory_space<hbm>> -> memref<256x64xf32, #tpu.memory_space<hbm>>
    %dma_start3A_72 = arith.constant 0 : i32
    %dma_start3A_73 = tpu.memref_slice %arg4[%dma_start3A_64, %add3A_62, %dma_start3A_72] : memref<50x16384x64xf32, #tpu.memory_space<hbm>> -> memref<1x256x64xf32, #tpu.memory_space<hbm>>
    %dma_start3A_74 = tpu.memref_squeeze %dma_start3A_73 : memref<1x256x64xf32, #tpu.memory_space<hbm>> -> memref<256x64xf32, #tpu.memory_space<hbm>>
    %dma_start3A_75 = arith.constant 0 : i32
    %dma_start3A_76 = arith.constant 0 : i32
    %dma_start3A_77 = tpu.memref_slice %arg6[%dma_start3A_63, %dma_start3A_75, %dma_start3A_76] : memref<4x256x64xf32, #tpu.memory_space<vmem>> -> memref<1x256x64xf32, #tpu.memory_space<vmem>>
    %dma_start3A_78 = tpu.memref_squeeze %dma_start3A_77 : memref<1x256x64xf32, #tpu.memory_space<vmem>> -> memref<256x64xf32, #tpu.memory_space<vmem>>
    tpu.enqueue_dma source(%dma_start3A_78 : memref<256x64xf32, #tpu.memory_space<vmem>>) target(%dma_start3A_74 : memref<256x64xf32, #tpu.memory_space<hbm>>) target_semaphore(%arg11 : memref<!tpu.dma_semaphore, #tpu.memory_space<semaphore_mem>>)
    %scan3A = arith.constant 0 : i32
    %scan3A_79 = arith.constant 24 : i32
    %scan3A_80 = arith.addi %scan3A, %scan3A_79 : i32
    %scan3A_81 = arith.constant 1 : i32
    scf.for %scan3A_245 = %scan3A to %scan3A_80 step %scan3A_81  : i32 {
      %mul3A_246 = arith.constant 1 : i32
      %mul3A_247 = arith.muli %scan3A_245, %mul3A_246 : i32
      %add3A_248 = arith.constant 0 : i32
      %add3A_249 = arith.addi %add3A_248, %mul3A_247 : i32
      %mul3A_250 = arith.constant 4 : i32
      %mul3A_251 = arith.muli %mul3A_250, %add3A_249 : i32
      %add3A_252 = arith.constant 1 : i32
      %add3A_253 = arith.addi %mul3A_251, %add3A_252 : i32
      %add3A_254 = arith.constant 0 : i32
      %add3A_255 = arith.addi %add3A_253, %add3A_254 : i32
      %sub3A = arith.constant 1 : i32
      %sub3A_256 = arith.subi %add3A_255, %sub3A : i32
      %jit3A = arith.constant 2 : i32
      %div3A = arith.divsi %sub3A_256, %jit3A : i32
      %sign3A = arith.constant 0 : i32
      %sign3A_257 = arith.cmpi sgt, %sub3A_256, %sign3A : i32
      %sign3A_258 = arith.extui %sign3A_257 : i1 to i32
      %sign3A_259 = arith.constant 0 : i32
      %sign3A_260 = arith.cmpi slt, %sub3A_256, %sign3A_259 : i32
      %sign3A_261 = arith.extui %sign3A_260 : i1 to i32
      %sign3A_262 = arith.subi %sign3A_258, %sign3A_261 : i32
      %sign3A_263 = arith.constant 0 : i32
      %sign3A_264 = arith.cmpi sgt, %jit3A, %sign3A_263 : i32
      %sign3A_265 = arith.extui %sign3A_264 : i1 to i32
      %sign3A_266 = arith.constant 0 : i32
      %sign3A_267 = arith.cmpi slt, %jit3A, %sign3A_266 : i32
      %sign3A_268 = arith.extui %sign3A_267 : i1 to i32
      %sign3A_269 = arith.subi %sign3A_265, %sign3A_268 : i32
      %ne3A = arith.cmpi ne, %sign3A_262, %sign3A_269 : i32
      %rem3A = arith.remsi %sub3A_256, %jit3A : i32
      %ne3A_270 = arith.constant 0 : i32
      %ne3A_271 = arith.cmpi ne, %rem3A, %ne3A_270 : i32
      %and3A = arith.andi %ne3A, %ne3A_271 : i1
      %sub3A_272 = arith.constant 1 : i32
      %sub3A_273 = arith.subi %div3A, %sub3A_272 : i32
      %select_n3A = arith.select %and3A, %sub3A_273, %div3A : i32
      %jit3A_274 = arith.constant 2 : i32
      %eq3A = arith.constant 0 : i32
      %eq3A_275 = arith.cmpi eq, %jit3A_274, %eq3A : i32
      %jit3A_276 = arith.constant 1 : i32
      %select_n3A_277 = arith.select %eq3A_275, %jit3A_276, %jit3A_274 : i32
      %rem3A_278 = arith.remsi %sub3A_256, %select_n3A_277 : i32
      %ne3A_279 = arith.constant 0 : i32
      %ne3A_280 = arith.cmpi ne, %rem3A_278, %ne3A_279 : i32
      %lt3A = arith.constant 0 : i32
      %lt3A_281 = arith.cmpi slt, %rem3A_278, %lt3A : i32
      %lt3A_282 = arith.constant 0 : i32
      %lt3A_283 = arith.cmpi slt, %select_n3A_277, %lt3A_282 : i32
      %ne3A_284 = arith.xori %lt3A_281, %lt3A_283 : i1
      %and3A_285 = arith.andi %ne3A_284, %ne3A_280 : i1
      %add3A_286 = arith.addi %rem3A_278, %select_n3A_277 : i32
      %select_n3A_287 = arith.select %and3A_285, %add3A_286, %rem3A_278 : i32
      %mul3A_288 = arith.constant 256 : i32
      %mul3A_289 = arith.muli %select_n3A_287, %mul3A_288 : i32
      %add3A_290 = arith.addi %mul3A_2, %mul3A_289 : i32
      %dma_wait3A_291 = arith.constant 0 : i32
      %dma_wait3A_292 = arith.constant 0 : i32
      %dma_wait3A_293 = arith.constant 0 : i32
      %dma_wait3A_294 = tpu.memref_slice %arg6[%dma_wait3A_291, %dma_wait3A_292, %dma_wait3A_293] : memref<4x256x64xf32, #tpu.memory_space<vmem>> -> memref<1x256x64xf32, #tpu.memory_space<vmem>>
      %dma_wait3A_295 = tpu.memref_squeeze %dma_wait3A_294 : memref<1x256x64xf32, #tpu.memory_space<vmem>> -> memref<256x64xf32, #tpu.memory_space<vmem>>
      %dma_wait3A_296 = arith.constant 0 : i32
      %dma_wait3A_297 = tpu.memref_slice %arg4[%select_n3A, %add3A_290, %dma_wait3A_296] : memref<50x16384x64xf32, #tpu.memory_space<hbm>> -> memref<1x256x64xf32, #tpu.memory_space<hbm>>
      %dma_wait3A_298 = tpu.memref_squeeze %dma_wait3A_297 : memref<1x256x64xf32, #tpu.memory_space<hbm>> -> memref<256x64xf32, #tpu.memory_space<hbm>>
      %dma_wait3A_299 = arith.constant 0 : i32
      %dma_wait3A_300 = tpu.memref_slice %arg4[%select_n3A, %add3A_290, %dma_wait3A_299] : memref<50x16384x64xf32, #tpu.memory_space<hbm>> -> memref<1x256x64xf32, #tpu.memory_space<hbm>>
      %dma_wait3A_301 = tpu.memref_squeeze %dma_wait3A_300 : memref<1x256x64xf32, #tpu.memory_space<hbm>> -> memref<256x64xf32, #tpu.memory_space<hbm>>
      %dma_wait3A_302 = arith.constant 0 : i32
      %dma_wait3A_303 = arith.constant 0 : i32
      %dma_wait3A_304 = tpu.memref_slice %arg6[%dma_wait3A_291, %dma_wait3A_302, %dma_wait3A_303] : memref<4x256x64xf32, #tpu.memory_space<vmem>> -> memref<1x256x64xf32, #tpu.memory_space<vmem>>
      %dma_wait3A_305 = tpu.memref_squeeze %dma_wait3A_304 : memref<1x256x64xf32, #tpu.memory_space<vmem>> -> memref<256x64xf32, #tpu.memory_space<vmem>>
      tpu.wait_dma2 semaphore(%arg11 : memref<!tpu.dma_semaphore, #tpu.memory_space<semaphore_mem>>) src(%dma_wait3A_305 : memref<256x64xf32, #tpu.memory_space<vmem>>) dst(%dma_wait3A_301 : memref<256x64xf32, #tpu.memory_space<hbm>>)
      %add3A_306 = arith.constant 3 : i32
      %add3A_307 = arith.addi %add3A_255, %add3A_306 : i32
      %jit3A_308 = arith.constant 2 : i32
      %div3A_309 = arith.divsi %add3A_307, %jit3A_308 : i32
      %sign3A_310 = arith.constant 0 : i32
      %sign3A_311 = arith.cmpi sgt, %add3A_307, %sign3A_310 : i32
      %sign3A_312 = arith.extui %sign3A_311 : i1 to i32
      %sign3A_313 = arith.constant 0 : i32
      %sign3A_314 = arith.cmpi slt, %add3A_307, %sign3A_313 : i32
      %sign3A_315 = arith.extui %sign3A_314 : i1 to i32
      %sign3A_316 = arith.subi %sign3A_312, %sign3A_315 : i32
      %sign3A_317 = arith.constant 0 : i32
      %sign3A_318 = arith.cmpi sgt, %jit3A_308, %sign3A_317 : i32
      %sign3A_319 = arith.extui %sign3A_318 : i1 to i32
      %sign3A_320 = arith.constant 0 : i32
      %sign3A_321 = arith.cmpi slt, %jit3A_308, %sign3A_320 : i32
      %sign3A_322 = arith.extui %sign3A_321 : i1 to i32
      %sign3A_323 = arith.subi %sign3A_319, %sign3A_322 : i32
      %ne3A_324 = arith.cmpi ne, %sign3A_316, %sign3A_323 : i32
      %rem3A_325 = arith.remsi %add3A_307, %jit3A_308 : i32
      %ne3A_326 = arith.constant 0 : i32
      %ne3A_327 = arith.cmpi ne, %rem3A_325, %ne3A_326 : i32
      %and3A_328 = arith.andi %ne3A_324, %ne3A_327 : i1
      %sub3A_329 = arith.constant 1 : i32
      %sub3A_330 = arith.subi %div3A_309, %sub3A_329 : i32
      %select_n3A_331 = arith.select %and3A_328, %sub3A_330, %div3A_309 : i32
      %jit3A_332 = arith.constant 2 : i32
      %eq3A_333 = arith.constant 0 : i32
      %eq3A_334 = arith.cmpi eq, %jit3A_332, %eq3A_333 : i32
      %jit3A_335 = arith.constant 1 : i32
      %select_n3A_336 = arith.select %eq3A_334, %jit3A_335, %jit3A_332 : i32
      %rem3A_337 = arith.remsi %add3A_307, %select_n3A_336 : i32
      %ne3A_338 = arith.constant 0 : i32
      %ne3A_339 = arith.cmpi ne, %rem3A_337, %ne3A_338 : i32
      %lt3A_340 = arith.constant 0 : i32
      %lt3A_341 = arith.cmpi slt, %rem3A_337, %lt3A_340 : i32
      %lt3A_342 = arith.constant 0 : i32
      %lt3A_343 = arith.cmpi slt, %select_n3A_336, %lt3A_342 : i32
      %ne3A_344 = arith.xori %lt3A_341, %lt3A_343 : i1
      %and3A_345 = arith.andi %ne3A_344, %ne3A_339 : i1
      %add3A_346 = arith.addi %rem3A_337, %select_n3A_336 : i32
      %select_n3A_347 = arith.select %and3A_345, %add3A_346, %rem3A_337 : i32
      %mul3A_348 = arith.constant 256 : i32
      %mul3A_349 = arith.muli %select_n3A_347, %mul3A_348 : i32
      %dma_start3A_350 = arith.constant 0 : i32
      %dma_start3A_351 = arith.constant 0 : i32
      %dma_start3A_352 = arith.constant 0 : i32
      %dma_start3A_353 = tpu.memref_slice %arg6[%dma_start3A_350, %dma_start3A_351, %dma_start3A_352] : memref<4x256x64xf32, #tpu.memory_space<vmem>> -> memref<1x256x64xf32, #tpu.memory_space<vmem>>
      %dma_start3A_354 = tpu.memref_squeeze %dma_start3A_353 : memref<1x256x64xf32, #tpu.memory_space<vmem>> -> memref<256x64xf32, #tpu.memory_space<vmem>>
      %dma_start3A_355 = tpu.memref_slice %arg5[%select_n3A_331, %mul3A_349] : memref<50x512xi32, #tpu.memory_space<vmem>> -> memref<1x256xi32, #tpu.memory_space<vmem>>
      %dma_start3A_356 = tpu.memref_squeeze %dma_start3A_355 : memref<1x256xi32, #tpu.memory_space<vmem>> -> memref<256xi32, #tpu.memory_space<vmem>>
      %dma_start3A_357 = arith.constant 0 : i32
      %dma_start3A_358 = arith.constant 0 : i32
      %dma_start3A_359 = tpu.memref_slice %arg3[%dma_start3A_357, %dma_start3A_358] : memref<1000000x64xf32, #tpu.memory_space<hbm>> -> memref<1000000x64xf32, #tpu.memory_space<hbm>>
      tpu.enqueue_indirect_dma source(%dma_start3A_359 : memref<1000000x64xf32, #tpu.memory_space<hbm>>) target(%dma_start3A_354 : memref<256x64xf32, #tpu.memory_space<vmem>>) offsets(%dma_start3A_356 : memref<256xi32, #tpu.memory_space<vmem>>) semaphore(%arg7 : memref<!tpu.dma_semaphore, #tpu.memory_space<semaphore_mem>>)
      %jit3A_360 = arith.constant 2 : i32
      %div3A_361 = arith.divsi %add3A_255, %jit3A_360 : i32
      %sign3A_362 = arith.constant 0 : i32
      %sign3A_363 = arith.cmpi sgt, %add3A_255, %sign3A_362 : i32
      %sign3A_364 = arith.extui %sign3A_363 : i1 to i32
      %sign3A_365 = arith.constant 0 : i32
      %sign3A_366 = arith.cmpi slt, %add3A_255, %sign3A_365 : i32
      %sign3A_367 = arith.extui %sign3A_366 : i1 to i32
      %sign3A_368 = arith.subi %sign3A_364, %sign3A_367 : i32
      %sign3A_369 = arith.constant 0 : i32
      %sign3A_370 = arith.cmpi sgt, %jit3A_360, %sign3A_369 : i32
      %sign3A_371 = arith.extui %sign3A_370 : i1 to i32
      %sign3A_372 = arith.constant 0 : i32
      %sign3A_373 = arith.cmpi slt, %jit3A_360, %sign3A_372 : i32
      %sign3A_374 = arith.extui %sign3A_373 : i1 to i32
      %sign3A_375 = arith.subi %sign3A_371, %sign3A_374 : i32
      %ne3A_376 = arith.cmpi ne, %sign3A_368, %sign3A_375 : i32
      %rem3A_377 = arith.remsi %add3A_255, %jit3A_360 : i32
      %ne3A_378 = arith.constant 0 : i32
      %ne3A_379 = arith.cmpi ne, %rem3A_377, %ne3A_378 : i32
      %and3A_380 = arith.andi %ne3A_376, %ne3A_379 : i1
      %sub3A_381 = arith.constant 1 : i32
      %sub3A_382 = arith.subi %div3A_361, %sub3A_381 : i32
      %select_n3A_383 = arith.select %and3A_380, %sub3A_382, %div3A_361 : i32
      %jit3A_384 = arith.constant 2 : i32
      %eq3A_385 = arith.constant 0 : i32
      %eq3A_386 = arith.cmpi eq, %jit3A_384, %eq3A_385 : i32
      %jit3A_387 = arith.constant 1 : i32
      %select_n3A_388 = arith.select %eq3A_386, %jit3A_387, %jit3A_384 : i32
      %rem3A_389 = arith.remsi %add3A_255, %select_n3A_388 : i32
      %ne3A_390 = arith.constant 0 : i32
      %ne3A_391 = arith.cmpi ne, %rem3A_389, %ne3A_390 : i32
      %lt3A_392 = arith.constant 0 : i32
      %lt3A_393 = arith.cmpi slt, %rem3A_389, %lt3A_392 : i32
      %lt3A_394 = arith.constant 0 : i32
      %lt3A_395 = arith.cmpi slt, %select_n3A_388, %lt3A_394 : i32
      %ne3A_396 = arith.xori %lt3A_393, %lt3A_395 : i1
      %and3A_397 = arith.andi %ne3A_396, %ne3A_391 : i1
      %add3A_398 = arith.addi %rem3A_389, %select_n3A_388 : i32
      %select_n3A_399 = arith.select %and3A_397, %add3A_398, %rem3A_389 : i32
      %mul3A_400 = arith.constant 256 : i32
      %mul3A_401 = arith.muli %select_n3A_399, %mul3A_400 : i32
      %dma_wait3A_402 = arith.constant 1 : i32
      %dma_wait3A_403 = arith.constant 0 : i32
      %dma_wait3A_404 = arith.constant 0 : i32
      %dma_wait3A_405 = tpu.memref_slice %arg6[%dma_wait3A_402, %dma_wait3A_403, %dma_wait3A_404] : memref<4x256x64xf32, #tpu.memory_space<vmem>> -> memref<1x256x64xf32, #tpu.memory_space<vmem>>
      %dma_wait3A_406 = tpu.memref_squeeze %dma_wait3A_405 : memref<1x256x64xf32, #tpu.memory_space<vmem>> -> memref<256x64xf32, #tpu.memory_space<vmem>>
      %dma_wait3A_407 = tpu.memref_slice %arg5[%select_n3A_383, %mul3A_401] : memref<50x512xi32, #tpu.memory_space<vmem>> -> memref<1x256xi32, #tpu.memory_space<vmem>>
      %dma_wait3A_408 = tpu.memref_squeeze %dma_wait3A_407 : memref<1x256xi32, #tpu.memory_space<vmem>> -> memref<256xi32, #tpu.memory_space<vmem>>
      %dma_wait3A_409 = arith.constant 0 : i32
      %dma_wait3A_410 = arith.constant 0 : i32
      %dma_wait3A_411 = tpu.memref_slice %arg3[%dma_wait3A_409, %dma_wait3A_410] : memref<1000000x64xf32, #tpu.memory_space<hbm>> -> memref<1000000x64xf32, #tpu.memory_space<hbm>>
      tpu.wait_indirect_dma semaphore(%arg8 : memref<!tpu.dma_semaphore, #tpu.memory_space<semaphore_mem>>) src(%dma_wait3A_411 : memref<1000000x64xf32, #tpu.memory_space<hbm>>) dst(%dma_wait3A_406 : memref<256x64xf32, #tpu.memory_space<vmem>>)
      %jit3A_412 = arith.constant 2 : i32
      %div3A_413 = arith.divsi %add3A_255, %jit3A_412 : i32
      %sign3A_414 = arith.constant 0 : i32
      %sign3A_415 = arith.cmpi sgt, %add3A_255, %sign3A_414 : i32
      %sign3A_416 = arith.extui %sign3A_415 : i1 to i32
      %sign3A_417 = arith.constant 0 : i32
      %sign3A_418 = arith.cmpi slt, %add3A_255, %sign3A_417 : i32
      %sign3A_419 = arith.extui %sign3A_418 : i1 to i32
      %sign3A_420 = arith.subi %sign3A_416, %sign3A_419 : i32
      %sign3A_421 = arith.constant 0 : i32
      %sign3A_422 = arith.cmpi sgt, %jit3A_412, %sign3A_421 : i32
      %sign3A_423 = arith.extui %sign3A_422 : i1 to i32
      %sign3A_424 = arith.constant 0 : i32
      %sign3A_425 = arith.cmpi slt, %jit3A_412, %sign3A_424 : i32
      %sign3A_426 = arith.extui %sign3A_425 : i1 to i32
      %sign3A_427 = arith.subi %sign3A_423, %sign3A_426 : i32
      %ne3A_428 = arith.cmpi ne, %sign3A_420, %sign3A_427 : i32
      %rem3A_429 = arith.remsi %add3A_255, %jit3A_412 : i32
      %ne3A_430 = arith.constant 0 : i32
      %ne3A_431 = arith.cmpi ne, %rem3A_429, %ne3A_430 : i32
      %and3A_432 = arith.andi %ne3A_428, %ne3A_431 : i1
      %sub3A_433 = arith.constant 1 : i32
      %sub3A_434 = arith.subi %div3A_413, %sub3A_433 : i32
      %select_n3A_435 = arith.select %and3A_432, %sub3A_434, %div3A_413 : i32
      %jit3A_436 = arith.constant 2 : i32
      %eq3A_437 = arith.constant 0 : i32
      %eq3A_438 = arith.cmpi eq, %jit3A_436, %eq3A_437 : i32
      %jit3A_439 = arith.constant 1 : i32
      %select_n3A_440 = arith.select %eq3A_438, %jit3A_439, %jit3A_436 : i32
      %rem3A_441 = arith.remsi %add3A_255, %select_n3A_440 : i32
      %ne3A_442 = arith.constant 0 : i32
      %ne3A_443 = arith.cmpi ne, %rem3A_441, %ne3A_442 : i32
      %lt3A_444 = arith.constant 0 : i32
      %lt3A_445 = arith.cmpi slt, %rem3A_441, %lt3A_444 : i32
      %lt3A_446 = arith.constant 0 : i32
      %lt3A_447 = arith.cmpi slt, %select_n3A_440, %lt3A_446 : i32
      %ne3A_448 = arith.xori %lt3A_445, %lt3A_447 : i1
      %and3A_449 = arith.andi %ne3A_448, %ne3A_443 : i1
      %add3A_450 = arith.addi %rem3A_441, %select_n3A_440 : i32
      %select_n3A_451 = arith.select %and3A_449, %add3A_450, %rem3A_441 : i32
      %mul3A_452 = arith.constant 256 : i32
      %mul3A_453 = arith.muli %select_n3A_451, %mul3A_452 : i32
      %add3A_454 = arith.addi %mul3A_2, %mul3A_453 : i32
      %dma_start3A_455 = arith.constant 1 : i32
      %dma_start3A_456 = arith.constant 0 : i32
      %dma_start3A_457 = arith.constant 0 : i32
      %dma_start3A_458 = tpu.memref_slice %arg6[%dma_start3A_455, %dma_start3A_456, %dma_start3A_457] : memref<4x256x64xf32, #tpu.memory_space<vmem>> -> memref<1x256x64xf32, #tpu.memory_space<vmem>>
      %dma_start3A_459 = tpu.memref_squeeze %dma_start3A_458 : memref<1x256x64xf32, #tpu.memory_space<vmem>> -> memref<256x64xf32, #tpu.memory_space<vmem>>
      %dma_start3A_460 = arith.constant 0 : i32
      %dma_start3A_461 = tpu.memref_slice %arg4[%select_n3A_435, %add3A_454, %dma_start3A_460] : memref<50x16384x64xf32, #tpu.memory_space<hbm>> -> memref<1x256x64xf32, #tpu.memory_space<hbm>>
      %dma_start3A_462 = tpu.memref_squeeze %dma_start3A_461 : memref<1x256x64xf32, #tpu.memory_space<hbm>> -> memref<256x64xf32, #tpu.memory_space<hbm>>
      %dma_start3A_463 = arith.constant 0 : i32
      %dma_start3A_464 = tpu.memref_slice %arg4[%select_n3A_435, %add3A_454, %dma_start3A_463] : memref<50x16384x64xf32, #tpu.memory_space<hbm>> -> memref<1x256x64xf32, #tpu.memory_space<hbm>>
      %dma_start3A_465 = tpu.memref_squeeze %dma_start3A_464 : memref<1x256x64xf32, #tpu.memory_space<hbm>> -> memref<256x64xf32, #tpu.memory_space<hbm>>
      %dma_start3A_466 = arith.constant 0 : i32
      %dma_start3A_467 = arith.constant 0 : i32
      %dma_start3A_468 = tpu.memref_slice %arg6[%dma_start3A_455, %dma_start3A_466, %dma_start3A_467] : memref<4x256x64xf32, #tpu.memory_space<vmem>> -> memref<1x256x64xf32, #tpu.memory_space<vmem>>
      %dma_start3A_469 = tpu.memref_squeeze %dma_start3A_468 : memref<1x256x64xf32, #tpu.memory_space<vmem>> -> memref<256x64xf32, #tpu.memory_space<vmem>>
      tpu.enqueue_dma source(%dma_start3A_469 : memref<256x64xf32, #tpu.memory_space<vmem>>) target(%dma_start3A_465 : memref<256x64xf32, #tpu.memory_space<hbm>>) target_semaphore(%arg12 : memref<!tpu.dma_semaphore, #tpu.memory_space<semaphore_mem>>)
      %mul3A_470 = arith.constant 4 : i32
      %mul3A_471 = arith.muli %mul3A_470, %add3A_249 : i32
      %add3A_472 = arith.constant 1 : i32
      %add3A_473 = arith.addi %mul3A_471, %add3A_472 : i32
      %add3A_474 = arith.constant 1 : i32
      %add3A_475 = arith.addi %add3A_473, %add3A_474 : i32
      %sub3A_476 = arith.constant 1 : i32
      %sub3A_477 = arith.subi %add3A_475, %sub3A_476 : i32
      %jit3A_478 = arith.constant 2 : i32
      %div3A_479 = arith.divsi %sub3A_477, %jit3A_478 : i32
      %sign3A_480 = arith.constant 0 : i32
      %sign3A_481 = arith.cmpi sgt, %sub3A_477, %sign3A_480 : i32
      %sign3A_482 = arith.extui %sign3A_481 : i1 to i32
      %sign3A_483 = arith.constant 0 : i32
      %sign3A_484 = arith.cmpi slt, %sub3A_477, %sign3A_483 : i32
      %sign3A_485 = arith.extui %sign3A_484 : i1 to i32
      %sign3A_486 = arith.subi %sign3A_482, %sign3A_485 : i32
      %sign3A_487 = arith.constant 0 : i32
      %sign3A_488 = arith.cmpi sgt, %jit3A_478, %sign3A_487 : i32
      %sign3A_489 = arith.extui %sign3A_488 : i1 to i32
      %sign3A_490 = arith.constant 0 : i32
      %sign3A_491 = arith.cmpi slt, %jit3A_478, %sign3A_490 : i32
      %sign3A_492 = arith.extui %sign3A_491 : i1 to i32
      %sign3A_493 = arith.subi %sign3A_489, %sign3A_492 : i32
      %ne3A_494 = arith.cmpi ne, %sign3A_486, %sign3A_493 : i32
      %rem3A_495 = arith.remsi %sub3A_477, %jit3A_478 : i32
      %ne3A_496 = arith.constant 0 : i32
      %ne3A_497 = arith.cmpi ne, %rem3A_495, %ne3A_496 : i32
      %and3A_498 = arith.andi %ne3A_494, %ne3A_497 : i1
      %sub3A_499 = arith.constant 1 : i32
      %sub3A_500 = arith.subi %div3A_479, %sub3A_499 : i32
      %select_n3A_501 = arith.select %and3A_498, %sub3A_500, %div3A_479 : i32
      %jit3A_502 = arith.constant 2 : i32
      %eq3A_503 = arith.constant 0 : i32
      %eq3A_504 = arith.cmpi eq, %jit3A_502, %eq3A_503 : i32
      %jit3A_505 = arith.constant 1 : i32
      %select_n3A_506 = arith.select %eq3A_504, %jit3A_505, %jit3A_502 : i32
      %rem3A_507 = arith.remsi %sub3A_477, %select_n3A_506 : i32
      %ne3A_508 = arith.constant 0 : i32
      %ne3A_509 = arith.cmpi ne, %rem3A_507, %ne3A_508 : i32
      %lt3A_510 = arith.constant 0 : i32
      %lt3A_511 = arith.cmpi slt, %rem3A_507, %lt3A_510 : i32
      %lt3A_512 = arith.constant 0 : i32
      %lt3A_513 = arith.cmpi slt, %select_n3A_506, %lt3A_512 : i32
      %ne3A_514 = arith.xori %lt3A_511, %lt3A_513 : i1
      %and3A_515 = arith.andi %ne3A_514, %ne3A_509 : i1
      %add3A_516 = arith.addi %rem3A_507, %select_n3A_506 : i32
      %select_n3A_517 = arith.select %and3A_515, %add3A_516, %rem3A_507 : i32
      %mul3A_518 = arith.constant 256 : i32
      %mul3A_519 = arith.muli %select_n3A_517, %mul3A_518 : i32
      %add3A_520 = arith.addi %mul3A_2, %mul3A_519 : i32
      %dma_wait3A_521 = arith.constant 1 : i32
      %dma_wait3A_522 = arith.constant 0 : i32
      %dma_wait3A_523 = arith.constant 0 : i32
      %dma_wait3A_524 = tpu.memref_slice %arg6[%dma_wait3A_521, %dma_wait3A_522, %dma_wait3A_523] : memref<4x256x64xf32, #tpu.memory_space<vmem>> -> memref<1x256x64xf32, #tpu.memory_space<vmem>>
      %dma_wait3A_525 = tpu.memref_squeeze %dma_wait3A_524 : memref<1x256x64xf32, #tpu.memory_space<vmem>> -> memref<256x64xf32, #tpu.memory_space<vmem>>
      %dma_wait3A_526 = arith.constant 0 : i32
      %dma_wait3A_527 = tpu.memref_slice %arg4[%select_n3A_501, %add3A_520, %dma_wait3A_526] : memref<50x16384x64xf32, #tpu.memory_space<hbm>> -> memref<1x256x64xf32, #tpu.memory_space<hbm>>
      %dma_wait3A_528 = tpu.memref_squeeze %dma_wait3A_527 : memref<1x256x64xf32, #tpu.memory_space<hbm>> -> memref<256x64xf32, #tpu.memory_space<hbm>>
      %dma_wait3A_529 = arith.constant 0 : i32
      %dma_wait3A_530 = tpu.memref_slice %arg4[%select_n3A_501, %add3A_520, %dma_wait3A_529] : memref<50x16384x64xf32, #tpu.memory_space<hbm>> -> memref<1x256x64xf32, #tpu.memory_space<hbm>>
      %dma_wait3A_531 = tpu.memref_squeeze %dma_wait3A_530 : memref<1x256x64xf32, #tpu.memory_space<hbm>> -> memref<256x64xf32, #tpu.memory_space<hbm>>
      %dma_wait3A_532 = arith.constant 0 : i32
      %dma_wait3A_533 = arith.constant 0 : i32
      %dma_wait3A_534 = tpu.memref_slice %arg6[%dma_wait3A_521, %dma_wait3A_532, %dma_wait3A_533] : memref<4x256x64xf32, #tpu.memory_space<vmem>> -> memref<1x256x64xf32, #tpu.memory_space<vmem>>
      %dma_wait3A_535 = tpu.memref_squeeze %dma_wait3A_534 : memref<1x256x64xf32, #tpu.memory_space<vmem>> -> memref<256x64xf32, #tpu.memory_space<vmem>>
      tpu.wait_dma2 semaphore(%arg12 : memref<!tpu.dma_semaphore, #tpu.memory_space<semaphore_mem>>) src(%dma_wait3A_535 : memref<256x64xf32, #tpu.memory_space<vmem>>) dst(%dma_wait3A_531 : memref<256x64xf32, #tpu.memory_space<hbm>>)
      %add3A_536 = arith.constant 3 : i32
      %add3A_537 = arith.addi %add3A_475, %add3A_536 : i32
      %jit3A_538 = arith.constant 2 : i32
      %div3A_539 = arith.divsi %add3A_537, %jit3A_538 : i32
      %sign3A_540 = arith.constant 0 : i32
      %sign3A_541 = arith.cmpi sgt, %add3A_537, %sign3A_540 : i32
      %sign3A_542 = arith.extui %sign3A_541 : i1 to i32
      %sign3A_543 = arith.constant 0 : i32
      %sign3A_544 = arith.cmpi slt, %add3A_537, %sign3A_543 : i32
      %sign3A_545 = arith.extui %sign3A_544 : i1 to i32
      %sign3A_546 = arith.subi %sign3A_542, %sign3A_545 : i32
      %sign3A_547 = arith.constant 0 : i32
      %sign3A_548 = arith.cmpi sgt, %jit3A_538, %sign3A_547 : i32
      %sign3A_549 = arith.extui %sign3A_548 : i1 to i32
      %sign3A_550 = arith.constant 0 : i32
      %sign3A_551 = arith.cmpi slt, %jit3A_538, %sign3A_550 : i32
      %sign3A_552 = arith.extui %sign3A_551 : i1 to i32
      %sign3A_553 = arith.subi %sign3A_549, %sign3A_552 : i32
      %ne3A_554 = arith.cmpi ne, %sign3A_546, %sign3A_553 : i32
      %rem3A_555 = arith.remsi %add3A_537, %jit3A_538 : i32
      %ne3A_556 = arith.constant 0 : i32
      %ne3A_557 = arith.cmpi ne, %rem3A_555, %ne3A_556 : i32
      %and3A_558 = arith.andi %ne3A_554, %ne3A_557 : i1
      %sub3A_559 = arith.constant 1 : i32
      %sub3A_560 = arith.subi %div3A_539, %sub3A_559 : i32
      %select_n3A_561 = arith.select %and3A_558, %sub3A_560, %div3A_539 : i32
      %jit3A_562 = arith.constant 2 : i32
      %eq3A_563 = arith.constant 0 : i32
      %eq3A_564 = arith.cmpi eq, %jit3A_562, %eq3A_563 : i32
      %jit3A_565 = arith.constant 1 : i32
      %select_n3A_566 = arith.select %eq3A_564, %jit3A_565, %jit3A_562 : i32
      %rem3A_567 = arith.remsi %add3A_537, %select_n3A_566 : i32
      %ne3A_568 = arith.constant 0 : i32
      %ne3A_569 = arith.cmpi ne, %rem3A_567, %ne3A_568 : i32
      %lt3A_570 = arith.constant 0 : i32
      %lt3A_571 = arith.cmpi slt, %rem3A_567, %lt3A_570 : i32
      %lt3A_572 = arith.constant 0 : i32
      %lt3A_573 = arith.cmpi slt, %select_n3A_566, %lt3A_572 : i32
      %ne3A_574 = arith.xori %lt3A_571, %lt3A_573 : i1
      %and3A_575 = arith.andi %ne3A_574, %ne3A_569 : i1
      %add3A_576 = arith.addi %rem3A_567, %select_n3A_566 : i32
      %select_n3A_577 = arith.select %and3A_575, %add3A_576, %rem3A_567 : i32
      %mul3A_578 = arith.constant 256 : i32
      %mul3A_579 = arith.muli %select_n3A_577, %mul3A_578 : i32
      %dma_start3A_580 = arith.constant 1 : i32
      %dma_start3A_581 = arith.constant 0 : i32
      %dma_start3A_582 = arith.constant 0 : i32
      %dma_start3A_583 = tpu.memref_slice %arg6[%dma_start3A_580, %dma_start3A_581, %dma_start3A_582] : memref<4x256x64xf32, #tpu.memory_space<vmem>> -> memref<1x256x64xf32, #tpu.memory_space<vmem>>
      %dma_start3A_584 = tpu.memref_squeeze %dma_start3A_583 : memref<1x256x64xf32, #tpu.memory_space<vmem>> -> memref<256x64xf32, #tpu.memory_space<vmem>>
      %dma_start3A_585 = tpu.memref_slice %arg5[%select_n3A_561, %mul3A_579] : memref<50x512xi32, #tpu.memory_space<vmem>> -> memref<1x256xi32, #tpu.memory_space<vmem>>
      %dma_start3A_586 = tpu.memref_squeeze %dma_start3A_585 : memref<1x256xi32, #tpu.memory_space<vmem>> -> memref<256xi32, #tpu.memory_space<vmem>>
      %dma_start3A_587 = arith.constant 0 : i32
      %dma_start3A_588 = arith.constant 0 : i32
      %dma_start3A_589 = tpu.memref_slice %arg3[%dma_start3A_587, %dma_start3A_588] : memref<1000000x64xf32, #tpu.memory_space<hbm>> -> memref<1000000x64xf32, #tpu.memory_space<hbm>>
      tpu.enqueue_indirect_dma source(%dma_start3A_589 : memref<1000000x64xf32, #tpu.memory_space<hbm>>) target(%dma_start3A_584 : memref<256x64xf32, #tpu.memory_space<vmem>>) offsets(%dma_start3A_586 : memref<256xi32, #tpu.memory_space<vmem>>) semaphore(%arg8 : memref<!tpu.dma_semaphore, #tpu.memory_space<semaphore_mem>>)
      %jit3A_590 = arith.constant 2 : i32
      %div3A_591 = arith.divsi %add3A_475, %jit3A_590 : i32
      %sign3A_592 = arith.constant 0 : i32
      %sign3A_593 = arith.cmpi sgt, %add3A_475, %sign3A_592 : i32
      %sign3A_594 = arith.extui %sign3A_593 : i1 to i32
      %sign3A_595 = arith.constant 0 : i32
      %sign3A_596 = arith.cmpi slt, %add3A_475, %sign3A_595 : i32
      %sign3A_597 = arith.extui %sign3A_596 : i1 to i32
      %sign3A_598 = arith.subi %sign3A_594, %sign3A_597 : i32
      %sign3A_599 = arith.constant 0 : i32
      %sign3A_600 = arith.cmpi sgt, %jit3A_590, %sign3A_599 : i32
      %sign3A_601 = arith.extui %sign3A_600 : i1 to i32
      %sign3A_602 = arith.constant 0 : i32
      %sign3A_603 = arith.cmpi slt, %jit3A_590, %sign3A_602 : i32
      %sign3A_604 = arith.extui %sign3A_603 : i1 to i32
      %sign3A_605 = arith.subi %sign3A_601, %sign3A_604 : i32
      %ne3A_606 = arith.cmpi ne, %sign3A_598, %sign3A_605 : i32
      %rem3A_607 = arith.remsi %add3A_475, %jit3A_590 : i32
      %ne3A_608 = arith.constant 0 : i32
      %ne3A_609 = arith.cmpi ne, %rem3A_607, %ne3A_608 : i32
      %and3A_610 = arith.andi %ne3A_606, %ne3A_609 : i1
      %sub3A_611 = arith.constant 1 : i32
      %sub3A_612 = arith.subi %div3A_591, %sub3A_611 : i32
      %select_n3A_613 = arith.select %and3A_610, %sub3A_612, %div3A_591 : i32
      %jit3A_614 = arith.constant 2 : i32
      %eq3A_615 = arith.constant 0 : i32
      %eq3A_616 = arith.cmpi eq, %jit3A_614, %eq3A_615 : i32
      %jit3A_617 = arith.constant 1 : i32
      %select_n3A_618 = arith.select %eq3A_616, %jit3A_617, %jit3A_614 : i32
      %rem3A_619 = arith.remsi %add3A_475, %select_n3A_618 : i32
      %ne3A_620 = arith.constant 0 : i32
      %ne3A_621 = arith.cmpi ne, %rem3A_619, %ne3A_620 : i32
      %lt3A_622 = arith.constant 0 : i32
      %lt3A_623 = arith.cmpi slt, %rem3A_619, %lt3A_622 : i32
      %lt3A_624 = arith.constant 0 : i32
      %lt3A_625 = arith.cmpi slt, %select_n3A_618, %lt3A_624 : i32
      %ne3A_626 = arith.xori %lt3A_623, %lt3A_625 : i1
      %and3A_627 = arith.andi %ne3A_626, %ne3A_621 : i1
      %add3A_628 = arith.addi %rem3A_619, %select_n3A_618 : i32
      %select_n3A_629 = arith.select %and3A_627, %add3A_628, %rem3A_619 : i32
      %mul3A_630 = arith.constant 256 : i32
      %mul3A_631 = arith.muli %select_n3A_629, %mul3A_630 : i32
      %dma_wait3A_632 = arith.constant 2 : i32
      %dma_wait3A_633 = arith.constant 0 : i32
      %dma_wait3A_634 = arith.constant 0 : i32
      %dma_wait3A_635 = tpu.memref_slice %arg6[%dma_wait3A_632, %dma_wait3A_633, %dma_wait3A_634] : memref<4x256x64xf32, #tpu.memory_space<vmem>> -> memref<1x256x64xf32, #tpu.memory_space<vmem>>
      %dma_wait3A_636 = tpu.memref_squeeze %dma_wait3A_635 : memref<1x256x64xf32, #tpu.memory_space<vmem>> -> memref<256x64xf32, #tpu.memory_space<vmem>>
      %dma_wait3A_637 = tpu.memref_slice %arg5[%select_n3A_613, %mul3A_631] : memref<50x512xi32, #tpu.memory_space<vmem>> -> memref<1x256xi32, #tpu.memory_space<vmem>>
      %dma_wait3A_638 = tpu.memref_squeeze %dma_wait3A_637 : memref<1x256xi32, #tpu.memory_space<vmem>> -> memref<256xi32, #tpu.memory_space<vmem>>
      %dma_wait3A_639 = arith.constant 0 : i32
      %dma_wait3A_640 = arith.constant 0 : i32
      %dma_wait3A_641 = tpu.memref_slice %arg3[%dma_wait3A_639, %dma_wait3A_640] : memref<1000000x64xf32, #tpu.memory_space<hbm>> -> memref<1000000x64xf32, #tpu.memory_space<hbm>>
      tpu.wait_indirect_dma semaphore(%arg9 : memref<!tpu.dma_semaphore, #tpu.memory_space<semaphore_mem>>) src(%dma_wait3A_641 : memref<1000000x64xf32, #tpu.memory_space<hbm>>) dst(%dma_wait3A_636 : memref<256x64xf32, #tpu.memory_space<vmem>>)
      %jit3A_642 = arith.constant 2 : i32
      %div3A_643 = arith.divsi %add3A_475, %jit3A_642 : i32
      %sign3A_644 = arith.constant 0 : i32
      %sign3A_645 = arith.cmpi sgt, %add3A_475, %sign3A_644 : i32
      %sign3A_646 = arith.extui %sign3A_645 : i1 to i32
      %sign3A_647 = arith.constant 0 : i32
      %sign3A_648 = arith.cmpi slt, %add3A_475, %sign3A_647 : i32
      %sign3A_649 = arith.extui %sign3A_648 : i1 to i32
      %sign3A_650 = arith.subi %sign3A_646, %sign3A_649 : i32
      %sign3A_651 = arith.constant 0 : i32
      %sign3A_652 = arith.cmpi sgt, %jit3A_642, %sign3A_651 : i32
      %sign3A_653 = arith.extui %sign3A_652 : i1 to i32
      %sign3A_654 = arith.constant 0 : i32
      %sign3A_655 = arith.cmpi slt, %jit3A_642, %sign3A_654 : i32
      %sign3A_656 = arith.extui %sign3A_655 : i1 to i32
      %sign3A_657 = arith.subi %sign3A_653, %sign3A_656 : i32
      %ne3A_658 = arith.cmpi ne, %sign3A_650, %sign3A_657 : i32
      %rem3A_659 = arith.remsi %add3A_475, %jit3A_642 : i32
      %ne3A_660 = arith.constant 0 : i32
      %ne3A_661 = arith.cmpi ne, %rem3A_659, %ne3A_660 : i32
      %and3A_662 = arith.andi %ne3A_658, %ne3A_661 : i1
      %sub3A_663 = arith.constant 1 : i32
      %sub3A_664 = arith.subi %div3A_643, %sub3A_663 : i32
      %select_n3A_665 = arith.select %and3A_662, %sub3A_664, %div3A_643 : i32
      %jit3A_666 = arith.constant 2 : i32
      %eq3A_667 = arith.constant 0 : i32
      %eq3A_668 = arith.cmpi eq, %jit3A_666, %eq3A_667 : i32
      %jit3A_669 = arith.constant 1 : i32
      %select_n3A_670 = arith.select %eq3A_668, %jit3A_669, %jit3A_666 : i32
      %rem3A_671 = arith.remsi %add3A_475, %select_n3A_670 : i32
      %ne3A_672 = arith.constant 0 : i32
      %ne3A_673 = arith.cmpi ne, %rem3A_671, %ne3A_672 : i32
      %lt3A_674 = arith.constant 0 : i32
      %lt3A_675 = arith.cmpi slt, %rem3A_671, %lt3A_674 : i32
      %lt3A_676 = arith.constant 0 : i32
      %lt3A_677 = arith.cmpi slt, %select_n3A_670, %lt3A_676 : i32
      %ne3A_678 = arith.xori %lt3A_675, %lt3A_677 : i1
      %and3A_679 = arith.andi %ne3A_678, %ne3A_673 : i1
      %add3A_680 = arith.addi %rem3A_671, %select_n3A_670 : i32
      %select_n3A_681 = arith.select %and3A_679, %add3A_680, %rem3A_671 : i32
      %mul3A_682 = arith.constant 256 : i32
      %mul3A_683 = arith.muli %select_n3A_681, %mul3A_682 : i32
      %add3A_684 = arith.addi %mul3A_2, %mul3A_683 : i32
      %dma_start3A_685 = arith.constant 2 : i32
      %dma_start3A_686 = arith.constant 0 : i32
      %dma_start3A_687 = arith.constant 0 : i32
      %dma_start3A_688 = tpu.memref_slice %arg6[%dma_start3A_685, %dma_start3A_686, %dma_start3A_687] : memref<4x256x64xf32, #tpu.memory_space<vmem>> -> memref<1x256x64xf32, #tpu.memory_space<vmem>>
      %dma_start3A_689 = tpu.memref_squeeze %dma_start3A_688 : memref<1x256x64xf32, #tpu.memory_space<vmem>> -> memref<256x64xf32, #tpu.memory_space<vmem>>
      %dma_start3A_690 = arith.constant 0 : i32
      %dma_start3A_691 = tpu.memref_slice %arg4[%select_n3A_665, %add3A_684, %dma_start3A_690] : memref<50x16384x64xf32, #tpu.memory_space<hbm>> -> memref<1x256x64xf32, #tpu.memory_space<hbm>>
      %dma_start3A_692 = tpu.memref_squeeze %dma_start3A_691 : memref<1x256x64xf32, #tpu.memory_space<hbm>> -> memref<256x64xf32, #tpu.memory_space<hbm>>
      %dma_start3A_693 = arith.constant 0 : i32
      %dma_start3A_694 = tpu.memref_slice %arg4[%select_n3A_665, %add3A_684, %dma_start3A_693] : memref<50x16384x64xf32, #tpu.memory_space<hbm>> -> memref<1x256x64xf32, #tpu.memory_space<hbm>>
      %dma_start3A_695 = tpu.memref_squeeze %dma_start3A_694 : memref<1x256x64xf32, #tpu.memory_space<hbm>> -> memref<256x64xf32, #tpu.memory_space<hbm>>
      %dma_start3A_696 = arith.constant 0 : i32
      %dma_start3A_697 = arith.constant 0 : i32
      %dma_start3A_698 = tpu.memref_slice %arg6[%dma_start3A_685, %dma_start3A_696, %dma_start3A_697] : memref<4x256x64xf32, #tpu.memory_space<vmem>> -> memref<1x256x64xf32, #tpu.memory_space<vmem>>
      %dma_start3A_699 = tpu.memref_squeeze %dma_start3A_698 : memref<1x256x64xf32, #tpu.memory_space<vmem>> -> memref<256x64xf32, #tpu.memory_space<vmem>>
      tpu.enqueue_dma source(%dma_start3A_699 : memref<256x64xf32, #tpu.memory_space<vmem>>) target(%dma_start3A_695 : memref<256x64xf32, #tpu.memory_space<hbm>>) target_semaphore(%arg13 : memref<!tpu.dma_semaphore, #tpu.memory_space<semaphore_mem>>)
      %mul3A_700 = arith.constant 4 : i32
      %mul3A_701 = arith.muli %mul3A_700, %add3A_249 : i32
      %add3A_702 = arith.constant 1 : i32
      %add3A_703 = arith.addi %mul3A_701, %add3A_702 : i32
      %add3A_704 = arith.constant 2 : i32
      %add3A_705 = arith.addi %add3A_703, %add3A_704 : i32
      %sub3A_706 = arith.constant 1 : i32
      %sub3A_707 = arith.subi %add3A_705, %sub3A_706 : i32
      %jit3A_708 = arith.constant 2 : i32
      %div3A_709 = arith.divsi %sub3A_707, %jit3A_708 : i32
      %sign3A_710 = arith.constant 0 : i32
      %sign3A_711 = arith.cmpi sgt, %sub3A_707, %sign3A_710 : i32
      %sign3A_712 = arith.extui %sign3A_711 : i1 to i32
      %sign3A_713 = arith.constant 0 : i32
      %sign3A_714 = arith.cmpi slt, %sub3A_707, %sign3A_713 : i32
      %sign3A_715 = arith.extui %sign3A_714 : i1 to i32
      %sign3A_716 = arith.subi %sign3A_712, %sign3A_715 : i32
      %sign3A_717 = arith.constant 0 : i32
      %sign3A_718 = arith.cmpi sgt, %jit3A_708, %sign3A_717 : i32
      %sign3A_719 = arith.extui %sign3A_718 : i1 to i32
      %sign3A_720 = arith.constant 0 : i32
      %sign3A_721 = arith.cmpi slt, %jit3A_708, %sign3A_720 : i32
      %sign3A_722 = arith.extui %sign3A_721 : i1 to i32
      %sign3A_723 = arith.subi %sign3A_719, %sign3A_722 : i32
      %ne3A_724 = arith.cmpi ne, %sign3A_716, %sign3A_723 : i32
      %rem3A_725 = arith.remsi %sub3A_707, %jit3A_708 : i32
      %ne3A_726 = arith.constant 0 : i32
      %ne3A_727 = arith.cmpi ne, %rem3A_725, %ne3A_726 : i32
      %and3A_728 = arith.andi %ne3A_724, %ne3A_727 : i1
      %sub3A_729 = arith.constant 1 : i32
      %sub3A_730 = arith.subi %div3A_709, %sub3A_729 : i32
      %select_n3A_731 = arith.select %and3A_728, %sub3A_730, %div3A_709 : i32
      %jit3A_732 = arith.constant 2 : i32
      %eq3A_733 = arith.constant 0 : i32
      %eq3A_734 = arith.cmpi eq, %jit3A_732, %eq3A_733 : i32
      %jit3A_735 = arith.constant 1 : i32
      %select_n3A_736 = arith.select %eq3A_734, %jit3A_735, %jit3A_732 : i32
      %rem3A_737 = arith.remsi %sub3A_707, %select_n3A_736 : i32
      %ne3A_738 = arith.constant 0 : i32
      %ne3A_739 = arith.cmpi ne, %rem3A_737, %ne3A_738 : i32
      %lt3A_740 = arith.constant 0 : i32
      %lt3A_741 = arith.cmpi slt, %rem3A_737, %lt3A_740 : i32
      %lt3A_742 = arith.constant 0 : i32
      %lt3A_743 = arith.cmpi slt, %select_n3A_736, %lt3A_742 : i32
      %ne3A_744 = arith.xori %lt3A_741, %lt3A_743 : i1
      %and3A_745 = arith.andi %ne3A_744, %ne3A_739 : i1
      %add3A_746 = arith.addi %rem3A_737, %select_n3A_736 : i32
      %select_n3A_747 = arith.select %and3A_745, %add3A_746, %rem3A_737 : i32
      %mul3A_748 = arith.constant 256 : i32
      %mul3A_749 = arith.muli %select_n3A_747, %mul3A_748 : i32
      %add3A_750 = arith.addi %mul3A_2, %mul3A_749 : i32
      %dma_wait3A_751 = arith.constant 2 : i32
      %dma_wait3A_752 = arith.constant 0 : i32
      %dma_wait3A_753 = arith.constant 0 : i32
      %dma_wait3A_754 = tpu.memref_slice %arg6[%dma_wait3A_751, %dma_wait3A_752, %dma_wait3A_753] : memref<4x256x64xf32, #tpu.memory_space<vmem>> -> memref<1x256x64xf32, #tpu.memory_space<vmem>>
      %dma_wait3A_755 = tpu.memref_squeeze %dma_wait3A_754 : memref<1x256x64xf32, #tpu.memory_space<vmem>> -> memref<256x64xf32, #tpu.memory_space<vmem>>
      %dma_wait3A_756 = arith.constant 0 : i32
      %dma_wait3A_757 = tpu.memref_slice %arg4[%select_n3A_731, %add3A_750, %dma_wait3A_756] : memref<50x16384x64xf32, #tpu.memory_space<hbm>> -> memref<1x256x64xf32, #tpu.memory_space<hbm>>
      %dma_wait3A_758 = tpu.memref_squeeze %dma_wait3A_757 : memref<1x256x64xf32, #tpu.memory_space<hbm>> -> memref<256x64xf32, #tpu.memory_space<hbm>>
      %dma_wait3A_759 = arith.constant 0 : i32
      %dma_wait3A_760 = tpu.memref_slice %arg4[%select_n3A_731, %add3A_750, %dma_wait3A_759] : memref<50x16384x64xf32, #tpu.memory_space<hbm>> -> memref<1x256x64xf32, #tpu.memory_space<hbm>>
      %dma_wait3A_761 = tpu.memref_squeeze %dma_wait3A_760 : memref<1x256x64xf32, #tpu.memory_space<hbm>> -> memref<256x64xf32, #tpu.memory_space<hbm>>
      %dma_wait3A_762 = arith.constant 0 : i32
      %dma_wait3A_763 = arith.constant 0 : i32
      %dma_wait3A_764 = tpu.memref_slice %arg6[%dma_wait3A_751, %dma_wait3A_762, %dma_wait3A_763] : memref<4x256x64xf32, #tpu.memory_space<vmem>> -> memref<1x256x64xf32, #tpu.memory_space<vmem>>
      %dma_wait3A_765 = tpu.memref_squeeze %dma_wait3A_764 : memref<1x256x64xf32, #tpu.memory_space<vmem>> -> memref<256x64xf32, #tpu.memory_space<vmem>>
      tpu.wait_dma2 semaphore(%arg13 : memref<!tpu.dma_semaphore, #tpu.memory_space<semaphore_mem>>) src(%dma_wait3A_765 : memref<256x64xf32, #tpu.memory_space<vmem>>) dst(%dma_wait3A_761 : memref<256x64xf32, #tpu.memory_space<hbm>>)
      %add3A_766 = arith.constant 3 : i32
      %add3A_767 = arith.addi %add3A_705, %add3A_766 : i32
      %jit3A_768 = arith.constant 2 : i32
      %div3A_769 = arith.divsi %add3A_767, %jit3A_768 : i32
      %sign3A_770 = arith.constant 0 : i32
      %sign3A_771 = arith.cmpi sgt, %add3A_767, %sign3A_770 : i32
      %sign3A_772 = arith.extui %sign3A_771 : i1 to i32
      %sign3A_773 = arith.constant 0 : i32
      %sign3A_774 = arith.cmpi slt, %add3A_767, %sign3A_773 : i32
      %sign3A_775 = arith.extui %sign3A_774 : i1 to i32
      %sign3A_776 = arith.subi %sign3A_772, %sign3A_775 : i32
      %sign3A_777 = arith.constant 0 : i32
      %sign3A_778 = arith.cmpi sgt, %jit3A_768, %sign3A_777 : i32
      %sign3A_779 = arith.extui %sign3A_778 : i1 to i32
      %sign3A_780 = arith.constant 0 : i32
      %sign3A_781 = arith.cmpi slt, %jit3A_768, %sign3A_780 : i32
      %sign3A_782 = arith.extui %sign3A_781 : i1 to i32
      %sign3A_783 = arith.subi %sign3A_779, %sign3A_782 : i32
      %ne3A_784 = arith.cmpi ne, %sign3A_776, %sign3A_783 : i32
      %rem3A_785 = arith.remsi %add3A_767, %jit3A_768 : i32
      %ne3A_786 = arith.constant 0 : i32
      %ne3A_787 = arith.cmpi ne, %rem3A_785, %ne3A_786 : i32
      %and3A_788 = arith.andi %ne3A_784, %ne3A_787 : i1
      %sub3A_789 = arith.constant 1 : i32
      %sub3A_790 = arith.subi %div3A_769, %sub3A_789 : i32
      %select_n3A_791 = arith.select %and3A_788, %sub3A_790, %div3A_769 : i32
      %jit3A_792 = arith.constant 2 : i32
      %eq3A_793 = arith.constant 0 : i32
      %eq3A_794 = arith.cmpi eq, %jit3A_792, %eq3A_793 : i32
      %jit3A_795 = arith.constant 1 : i32
      %select_n3A_796 = arith.select %eq3A_794, %jit3A_795, %jit3A_792 : i32
      %rem3A_797 = arith.remsi %add3A_767, %select_n3A_796 : i32
      %ne3A_798 = arith.constant 0 : i32
      %ne3A_799 = arith.cmpi ne, %rem3A_797, %ne3A_798 : i32
      %lt3A_800 = arith.constant 0 : i32
      %lt3A_801 = arith.cmpi slt, %rem3A_797, %lt3A_800 : i32
      %lt3A_802 = arith.constant 0 : i32
      %lt3A_803 = arith.cmpi slt, %select_n3A_796, %lt3A_802 : i32
      %ne3A_804 = arith.xori %lt3A_801, %lt3A_803 : i1
      %and3A_805 = arith.andi %ne3A_804, %ne3A_799 : i1
      %add3A_806 = arith.addi %rem3A_797, %select_n3A_796 : i32
      %select_n3A_807 = arith.select %and3A_805, %add3A_806, %rem3A_797 : i32
      %mul3A_808 = arith.constant 256 : i32
      %mul3A_809 = arith.muli %select_n3A_807, %mul3A_808 : i32
      %dma_start3A_810 = arith.constant 2 : i32
      %dma_start3A_811 = arith.constant 0 : i32
      %dma_start3A_812 = arith.constant 0 : i32
      %dma_start3A_813 = tpu.memref_slice %arg6[%dma_start3A_810, %dma_start3A_811, %dma_start3A_812] : memref<4x256x64xf32, #tpu.memory_space<vmem>> -> memref<1x256x64xf32, #tpu.memory_space<vmem>>
      %dma_start3A_814 = tpu.memref_squeeze %dma_start3A_813 : memref<1x256x64xf32, #tpu.memory_space<vmem>> -> memref<256x64xf32, #tpu.memory_space<vmem>>
      %dma_start3A_815 = tpu.memref_slice %arg5[%select_n3A_791, %mul3A_809] : memref<50x512xi32, #tpu.memory_space<vmem>> -> memref<1x256xi32, #tpu.memory_space<vmem>>
      %dma_start3A_816 = tpu.memref_squeeze %dma_start3A_815 : memref<1x256xi32, #tpu.memory_space<vmem>> -> memref<256xi32, #tpu.memory_space<vmem>>
      %dma_start3A_817 = arith.constant 0 : i32
      %dma_start3A_818 = arith.constant 0 : i32
      %dma_start3A_819 = tpu.memref_slice %arg3[%dma_start3A_817, %dma_start3A_818] : memref<1000000x64xf32, #tpu.memory_space<hbm>> -> memref<1000000x64xf32, #tpu.memory_space<hbm>>
      tpu.enqueue_indirect_dma source(%dma_start3A_819 : memref<1000000x64xf32, #tpu.memory_space<hbm>>) target(%dma_start3A_814 : memref<256x64xf32, #tpu.memory_space<vmem>>) offsets(%dma_start3A_816 : memref<256xi32, #tpu.memory_space<vmem>>) semaphore(%arg9 : memref<!tpu.dma_semaphore, #tpu.memory_space<semaphore_mem>>)
      %jit3A_820 = arith.constant 2 : i32
      %div3A_821 = arith.divsi %add3A_705, %jit3A_820 : i32
      %sign3A_822 = arith.constant 0 : i32
      %sign3A_823 = arith.cmpi sgt, %add3A_705, %sign3A_822 : i32
      %sign3A_824 = arith.extui %sign3A_823 : i1 to i32
      %sign3A_825 = arith.constant 0 : i32
      %sign3A_826 = arith.cmpi slt, %add3A_705, %sign3A_825 : i32
      %sign3A_827 = arith.extui %sign3A_826 : i1 to i32
      %sign3A_828 = arith.subi %sign3A_824, %sign3A_827 : i32
      %sign3A_829 = arith.constant 0 : i32
      %sign3A_830 = arith.cmpi sgt, %jit3A_820, %sign3A_829 : i32
      %sign3A_831 = arith.extui %sign3A_830 : i1 to i32
      %sign3A_832 = arith.constant 0 : i32
      %sign3A_833 = arith.cmpi slt, %jit3A_820, %sign3A_832 : i32
      %sign3A_834 = arith.extui %sign3A_833 : i1 to i32
      %sign3A_835 = arith.subi %sign3A_831, %sign3A_834 : i32
      %ne3A_836 = arith.cmpi ne, %sign3A_828, %sign3A_835 : i32
      %rem3A_837 = arith.remsi %add3A_705, %jit3A_820 : i32
      %ne3A_838 = arith.constant 0 : i32
      %ne3A_839 = arith.cmpi ne, %rem3A_837, %ne3A_838 : i32
      %and3A_840 = arith.andi %ne3A_836, %ne3A_839 : i1
      %sub3A_841 = arith.constant 1 : i32
      %sub3A_842 = arith.subi %div3A_821, %sub3A_841 : i32
      %select_n3A_843 = arith.select %and3A_840, %sub3A_842, %div3A_821 : i32
      %jit3A_844 = arith.constant 2 : i32
      %eq3A_845 = arith.constant 0 : i32
      %eq3A_846 = arith.cmpi eq, %jit3A_844, %eq3A_845 : i32
      %jit3A_847 = arith.constant 1 : i32
      %select_n3A_848 = arith.select %eq3A_846, %jit3A_847, %jit3A_844 : i32
      %rem3A_849 = arith.remsi %add3A_705, %select_n3A_848 : i32
      %ne3A_850 = arith.constant 0 : i32
      %ne3A_851 = arith.cmpi ne, %rem3A_849, %ne3A_850 : i32
      %lt3A_852 = arith.constant 0 : i32
      %lt3A_853 = arith.cmpi slt, %rem3A_849, %lt3A_852 : i32
      %lt3A_854 = arith.constant 0 : i32
      %lt3A_855 = arith.cmpi slt, %select_n3A_848, %lt3A_854 : i32
      %ne3A_856 = arith.xori %lt3A_853, %lt3A_855 : i1
      %and3A_857 = arith.andi %ne3A_856, %ne3A_851 : i1
      %add3A_858 = arith.addi %rem3A_849, %select_n3A_848 : i32
      %select_n3A_859 = arith.select %and3A_857, %add3A_858, %rem3A_849 : i32
      %mul3A_860 = arith.constant 256 : i32
      %mul3A_861 = arith.muli %select_n3A_859, %mul3A_860 : i32
      %dma_wait3A_862 = arith.constant 3 : i32
      %dma_wait3A_863 = arith.constant 0 : i32
      %dma_wait3A_864 = arith.constant 0 : i32
      %dma_wait3A_865 = tpu.memref_slice %arg6[%dma_wait3A_862, %dma_wait3A_863, %dma_wait3A_864] : memref<4x256x64xf32, #tpu.memory_space<vmem>> -> memref<1x256x64xf32, #tpu.memory_space<vmem>>
      %dma_wait3A_866 = tpu.memref_squeeze %dma_wait3A_865 : memref<1x256x64xf32, #tpu.memory_space<vmem>> -> memref<256x64xf32, #tpu.memory_space<vmem>>
      %dma_wait3A_867 = tpu.memref_slice %arg5[%select_n3A_843, %mul3A_861] : memref<50x512xi32, #tpu.memory_space<vmem>> -> memref<1x256xi32, #tpu.memory_space<vmem>>
      %dma_wait3A_868 = tpu.memref_squeeze %dma_wait3A_867 : memref<1x256xi32, #tpu.memory_space<vmem>> -> memref<256xi32, #tpu.memory_space<vmem>>
      %dma_wait3A_869 = arith.constant 0 : i32
      %dma_wait3A_870 = arith.constant 0 : i32
      %dma_wait3A_871 = tpu.memref_slice %arg3[%dma_wait3A_869, %dma_wait3A_870] : memref<1000000x64xf32, #tpu.memory_space<hbm>> -> memref<1000000x64xf32, #tpu.memory_space<hbm>>
      tpu.wait_indirect_dma semaphore(%arg10 : memref<!tpu.dma_semaphore, #tpu.memory_space<semaphore_mem>>) src(%dma_wait3A_871 : memref<1000000x64xf32, #tpu.memory_space<hbm>>) dst(%dma_wait3A_866 : memref<256x64xf32, #tpu.memory_space<vmem>>)
      %jit3A_872 = arith.constant 2 : i32
      %div3A_873 = arith.divsi %add3A_705, %jit3A_872 : i32
      %sign3A_874 = arith.constant 0 : i32
      %sign3A_875 = arith.cmpi sgt, %add3A_705, %sign3A_874 : i32
      %sign3A_876 = arith.extui %sign3A_875 : i1 to i32
      %sign3A_877 = arith.constant 0 : i32
      %sign3A_878 = arith.cmpi slt, %add3A_705, %sign3A_877 : i32
      %sign3A_879 = arith.extui %sign3A_878 : i1 to i32
      %sign3A_880 = arith.subi %sign3A_876, %sign3A_879 : i32
      %sign3A_881 = arith.constant 0 : i32
      %sign3A_882 = arith.cmpi sgt, %jit3A_872, %sign3A_881 : i32
      %sign3A_883 = arith.extui %sign3A_882 : i1 to i32
      %sign3A_884 = arith.constant 0 : i32
      %sign3A_885 = arith.cmpi slt, %jit3A_872, %sign3A_884 : i32
      %sign3A_886 = arith.extui %sign3A_885 : i1 to i32
      %sign3A_887 = arith.subi %sign3A_883, %sign3A_886 : i32
      %ne3A_888 = arith.cmpi ne, %sign3A_880, %sign3A_887 : i32
      %rem3A_889 = arith.remsi %add3A_705, %jit3A_872 : i32
      %ne3A_890 = arith.constant 0 : i32
      %ne3A_891 = arith.cmpi ne, %rem3A_889, %ne3A_890 : i32
      %and3A_892 = arith.andi %ne3A_888, %ne3A_891 : i1
      %sub3A_893 = arith.constant 1 : i32
      %sub3A_894 = arith.subi %div3A_873, %sub3A_893 : i32
      %select_n3A_895 = arith.select %and3A_892, %sub3A_894, %div3A_873 : i32
      %jit3A_896 = arith.constant 2 : i32
      %eq3A_897 = arith.constant 0 : i32
      %eq3A_898 = arith.cmpi eq, %jit3A_896, %eq3A_897 : i32
      %jit3A_899 = arith.constant 1 : i32
      %select_n3A_900 = arith.select %eq3A_898, %jit3A_899, %jit3A_896 : i32
      %rem3A_901 = arith.remsi %add3A_705, %select_n3A_900 : i32
      %ne3A_902 = arith.constant 0 : i32
      %ne3A_903 = arith.cmpi ne, %rem3A_901, %ne3A_902 : i32
      %lt3A_904 = arith.constant 0 : i32
      %lt3A_905 = arith.cmpi slt, %rem3A_901, %lt3A_904 : i32
      %lt3A_906 = arith.constant 0 : i32
      %lt3A_907 = arith.cmpi slt, %select_n3A_900, %lt3A_906 : i32
      %ne3A_908 = arith.xori %lt3A_905, %lt3A_907 : i1
      %and3A_909 = arith.andi %ne3A_908, %ne3A_903 : i1
      %add3A_910 = arith.addi %rem3A_901, %select_n3A_900 : i32
      %select_n3A_911 = arith.select %and3A_909, %add3A_910, %rem3A_901 : i32
      %mul3A_912 = arith.constant 256 : i32
      %mul3A_913 = arith.muli %select_n3A_911, %mul3A_912 : i32
      %add3A_914 = arith.addi %mul3A_2, %mul3A_913 : i32
      %dma_start3A_915 = arith.constant 3 : i32
      %dma_start3A_916 = arith.constant 0 : i32
      %dma_start3A_917 = arith.constant 0 : i32
      %dma_start3A_918 = tpu.memref_slice %arg6[%dma_start3A_915, %dma_start3A_916, %dma_start3A_917] : memref<4x256x64xf32, #tpu.memory_space<vmem>> -> memref<1x256x64xf32, #tpu.memory_space<vmem>>
      %dma_start3A_919 = tpu.memref_squeeze %dma_start3A_918 : memref<1x256x64xf32, #tpu.memory_space<vmem>> -> memref<256x64xf32, #tpu.memory_space<vmem>>
      %dma_start3A_920 = arith.constant 0 : i32
      %dma_start3A_921 = tpu.memref_slice %arg4[%select_n3A_895, %add3A_914, %dma_start3A_920] : memref<50x16384x64xf32, #tpu.memory_space<hbm>> -> memref<1x256x64xf32, #tpu.memory_space<hbm>>
      %dma_start3A_922 = tpu.memref_squeeze %dma_start3A_921 : memref<1x256x64xf32, #tpu.memory_space<hbm>> -> memref<256x64xf32, #tpu.memory_space<hbm>>
      %dma_start3A_923 = arith.constant 0 : i32
      %dma_start3A_924 = tpu.memref_slice %arg4[%select_n3A_895, %add3A_914, %dma_start3A_923] : memref<50x16384x64xf32, #tpu.memory_space<hbm>> -> memref<1x256x64xf32, #tpu.memory_space<hbm>>
      %dma_start3A_925 = tpu.memref_squeeze %dma_start3A_924 : memref<1x256x64xf32, #tpu.memory_space<hbm>> -> memref<256x64xf32, #tpu.memory_space<hbm>>
      %dma_start3A_926 = arith.constant 0 : i32
      %dma_start3A_927 = arith.constant 0 : i32
      %dma_start3A_928 = tpu.memref_slice %arg6[%dma_start3A_915, %dma_start3A_926, %dma_start3A_927] : memref<4x256x64xf32, #tpu.memory_space<vmem>> -> memref<1x256x64xf32, #tpu.memory_space<vmem>>
      %dma_start3A_929 = tpu.memref_squeeze %dma_start3A_928 : memref<1x256x64xf32, #tpu.memory_space<vmem>> -> memref<256x64xf32, #tpu.memory_space<vmem>>
      tpu.enqueue_dma source(%dma_start3A_929 : memref<256x64xf32, #tpu.memory_space<vmem>>) target(%dma_start3A_925 : memref<256x64xf32, #tpu.memory_space<hbm>>) target_semaphore(%arg14 : memref<!tpu.dma_semaphore, #tpu.memory_space<semaphore_mem>>)
      %mul3A_930 = arith.constant 4 : i32
      %mul3A_931 = arith.muli %mul3A_930, %add3A_249 : i32
      %add3A_932 = arith.constant 1 : i32
      %add3A_933 = arith.addi %mul3A_931, %add3A_932 : i32
      %add3A_934 = arith.constant 3 : i32
      %add3A_935 = arith.addi %add3A_933, %add3A_934 : i32
      %sub3A_936 = arith.constant 1 : i32
      %sub3A_937 = arith.subi %add3A_935, %sub3A_936 : i32
      %jit3A_938 = arith.constant 2 : i32
      %div3A_939 = arith.divsi %sub3A_937, %jit3A_938 : i32
      %sign3A_940 = arith.constant 0 : i32
      %sign3A_941 = arith.cmpi sgt, %sub3A_937, %sign3A_940 : i32
      %sign3A_942 = arith.extui %sign3A_941 : i1 to i32
      %sign3A_943 = arith.constant 0 : i32
      %sign3A_944 = arith.cmpi slt, %sub3A_937, %sign3A_943 : i32
      %sign3A_945 = arith.extui %sign3A_944 : i1 to i32
      %sign3A_946 = arith.subi %sign3A_942, %sign3A_945 : i32
      %sign3A_947 = arith.constant 0 : i32
      %sign3A_948 = arith.cmpi sgt, %jit3A_938, %sign3A_947 : i32
      %sign3A_949 = arith.extui %sign3A_948 : i1 to i32
      %sign3A_950 = arith.constant 0 : i32
      %sign3A_951 = arith.cmpi slt, %jit3A_938, %sign3A_950 : i32
      %sign3A_952 = arith.extui %sign3A_951 : i1 to i32
      %sign3A_953 = arith.subi %sign3A_949, %sign3A_952 : i32
      %ne3A_954 = arith.cmpi ne, %sign3A_946, %sign3A_953 : i32
      %rem3A_955 = arith.remsi %sub3A_937, %jit3A_938 : i32
      %ne3A_956 = arith.constant 0 : i32
      %ne3A_957 = arith.cmpi ne, %rem3A_955, %ne3A_956 : i32
      %and3A_958 = arith.andi %ne3A_954, %ne3A_957 : i1
      %sub3A_959 = arith.constant 1 : i32
      %sub3A_960 = arith.subi %div3A_939, %sub3A_959 : i32
      %select_n3A_961 = arith.select %and3A_958, %sub3A_960, %div3A_939 : i32
      %jit3A_962 = arith.constant 2 : i32
      %eq3A_963 = arith.constant 0 : i32
      %eq3A_964 = arith.cmpi eq, %jit3A_962, %eq3A_963 : i32
      %jit3A_965 = arith.constant 1 : i32
      %select_n3A_966 = arith.select %eq3A_964, %jit3A_965, %jit3A_962 : i32
      %rem3A_967 = arith.remsi %sub3A_937, %select_n3A_966 : i32
      %ne3A_968 = arith.constant 0 : i32
      %ne3A_969 = arith.cmpi ne, %rem3A_967, %ne3A_968 : i32
      %lt3A_970 = arith.constant 0 : i32
      %lt3A_971 = arith.cmpi slt, %rem3A_967, %lt3A_970 : i32
      %lt3A_972 = arith.constant 0 : i32
      %lt3A_973 = arith.cmpi slt, %select_n3A_966, %lt3A_972 : i32
      %ne3A_974 = arith.xori %lt3A_971, %lt3A_973 : i1
      %and3A_975 = arith.andi %ne3A_974, %ne3A_969 : i1
      %add3A_976 = arith.addi %rem3A_967, %select_n3A_966 : i32
      %select_n3A_977 = arith.select %and3A_975, %add3A_976, %rem3A_967 : i32
      %mul3A_978 = arith.constant 256 : i32
      %mul3A_979 = arith.muli %select_n3A_977, %mul3A_978 : i32
      %add3A_980 = arith.addi %mul3A_2, %mul3A_979 : i32
      %dma_wait3A_981 = arith.constant 3 : i32
      %dma_wait3A_982 = arith.constant 0 : i32
      %dma_wait3A_983 = arith.constant 0 : i32
      %dma_wait3A_984 = tpu.memref_slice %arg6[%dma_wait3A_981, %dma_wait3A_982, %dma_wait3A_983] : memref<4x256x64xf32, #tpu.memory_space<vmem>> -> memref<1x256x64xf32, #tpu.memory_space<vmem>>
      %dma_wait3A_985 = tpu.memref_squeeze %dma_wait3A_984 : memref<1x256x64xf32, #tpu.memory_space<vmem>> -> memref<256x64xf32, #tpu.memory_space<vmem>>
      %dma_wait3A_986 = arith.constant 0 : i32
      %dma_wait3A_987 = tpu.memref_slice %arg4[%select_n3A_961, %add3A_980, %dma_wait3A_986] : memref<50x16384x64xf32, #tpu.memory_space<hbm>> -> memref<1x256x64xf32, #tpu.memory_space<hbm>>
      %dma_wait3A_988 = tpu.memref_squeeze %dma_wait3A_987 : memref<1x256x64xf32, #tpu.memory_space<hbm>> -> memref<256x64xf32, #tpu.memory_space<hbm>>
      %dma_wait3A_989 = arith.constant 0 : i32
      %dma_wait3A_990 = tpu.memref_slice %arg4[%select_n3A_961, %add3A_980, %dma_wait3A_989] : memref<50x16384x64xf32, #tpu.memory_space<hbm>> -> memref<1x256x64xf32, #tpu.memory_space<hbm>>
      %dma_wait3A_991 = tpu.memref_squeeze %dma_wait3A_990 : memref<1x256x64xf32, #tpu.memory_space<hbm>> -> memref<256x64xf32, #tpu.memory_space<hbm>>
      %dma_wait3A_992 = arith.constant 0 : i32
      %dma_wait3A_993 = arith.constant 0 : i32
      %dma_wait3A_994 = tpu.memref_slice %arg6[%dma_wait3A_981, %dma_wait3A_992, %dma_wait3A_993] : memref<4x256x64xf32, #tpu.memory_space<vmem>> -> memref<1x256x64xf32, #tpu.memory_space<vmem>>
      %dma_wait3A_995 = tpu.memref_squeeze %dma_wait3A_994 : memref<1x256x64xf32, #tpu.memory_space<vmem>> -> memref<256x64xf32, #tpu.memory_space<vmem>>
      tpu.wait_dma2 semaphore(%arg14 : memref<!tpu.dma_semaphore, #tpu.memory_space<semaphore_mem>>) src(%dma_wait3A_995 : memref<256x64xf32, #tpu.memory_space<vmem>>) dst(%dma_wait3A_991 : memref<256x64xf32, #tpu.memory_space<hbm>>)
      %add3A_996 = arith.constant 3 : i32
      %add3A_997 = arith.addi %add3A_935, %add3A_996 : i32
      %jit3A_998 = arith.constant 2 : i32
      %div3A_999 = arith.divsi %add3A_997, %jit3A_998 : i32
      %sign3A_1000 = arith.constant 0 : i32
      %sign3A_1001 = arith.cmpi sgt, %add3A_997, %sign3A_1000 : i32
      %sign3A_1002 = arith.extui %sign3A_1001 : i1 to i32
      %sign3A_1003 = arith.constant 0 : i32
      %sign3A_1004 = arith.cmpi slt, %add3A_997, %sign3A_1003 : i32
      %sign3A_1005 = arith.extui %sign3A_1004 : i1 to i32
      %sign3A_1006 = arith.subi %sign3A_1002, %sign3A_1005 : i32
      %sign3A_1007 = arith.constant 0 : i32
      %sign3A_1008 = arith.cmpi sgt, %jit3A_998, %sign3A_1007 : i32
      %sign3A_1009 = arith.extui %sign3A_1008 : i1 to i32
      %sign3A_1010 = arith.constant 0 : i32
      %sign3A_1011 = arith.cmpi slt, %jit3A_998, %sign3A_1010 : i32
      %sign3A_1012 = arith.extui %sign3A_1011 : i1 to i32
      %sign3A_1013 = arith.subi %sign3A_1009, %sign3A_1012 : i32
      %ne3A_1014 = arith.cmpi ne, %sign3A_1006, %sign3A_1013 : i32
      %rem3A_1015 = arith.remsi %add3A_997, %jit3A_998 : i32
      %ne3A_1016 = arith.constant 0 : i32
      %ne3A_1017 = arith.cmpi ne, %rem3A_1015, %ne3A_1016 : i32
      %and3A_1018 = arith.andi %ne3A_1014, %ne3A_1017 : i1
      %sub3A_1019 = arith.constant 1 : i32
      %sub3A_1020 = arith.subi %div3A_999, %sub3A_1019 : i32
      %select_n3A_1021 = arith.select %and3A_1018, %sub3A_1020, %div3A_999 : i32
      %jit3A_1022 = arith.constant 2 : i32
      %eq3A_1023 = arith.constant 0 : i32
      %eq3A_1024 = arith.cmpi eq, %jit3A_1022, %eq3A_1023 : i32
      %jit3A_1025 = arith.constant 1 : i32
      %select_n3A_1026 = arith.select %eq3A_1024, %jit3A_1025, %jit3A_1022 : i32
      %rem3A_1027 = arith.remsi %add3A_997, %select_n3A_1026 : i32
      %ne3A_1028 = arith.constant 0 : i32
      %ne3A_1029 = arith.cmpi ne, %rem3A_1027, %ne3A_1028 : i32
      %lt3A_1030 = arith.constant 0 : i32
      %lt3A_1031 = arith.cmpi slt, %rem3A_1027, %lt3A_1030 : i32
      %lt3A_1032 = arith.constant 0 : i32
      %lt3A_1033 = arith.cmpi slt, %select_n3A_1026, %lt3A_1032 : i32
      %ne3A_1034 = arith.xori %lt3A_1031, %lt3A_1033 : i1
      %and3A_1035 = arith.andi %ne3A_1034, %ne3A_1029 : i1
      %add3A_1036 = arith.addi %rem3A_1027, %select_n3A_1026 : i32
      %select_n3A_1037 = arith.select %and3A_1035, %add3A_1036, %rem3A_1027 : i32
      %mul3A_1038 = arith.constant 256 : i32
      %mul3A_1039 = arith.muli %select_n3A_1037, %mul3A_1038 : i32
      %dma_start3A_1040 = arith.constant 3 : i32
      %dma_start3A_1041 = arith.constant 0 : i32
      %dma_start3A_1042 = arith.constant 0 : i32
      %dma_start3A_1043 = tpu.memref_slice %arg6[%dma_start3A_1040, %dma_start3A_1041, %dma_start3A_1042] : memref<4x256x64xf32, #tpu.memory_space<vmem>> -> memref<1x256x64xf32, #tpu.memory_space<vmem>>
      %dma_start3A_1044 = tpu.memref_squeeze %dma_start3A_1043 : memref<1x256x64xf32, #tpu.memory_space<vmem>> -> memref<256x64xf32, #tpu.memory_space<vmem>>
      %dma_start3A_1045 = tpu.memref_slice %arg5[%select_n3A_1021, %mul3A_1039] : memref<50x512xi32, #tpu.memory_space<vmem>> -> memref<1x256xi32, #tpu.memory_space<vmem>>
      %dma_start3A_1046 = tpu.memref_squeeze %dma_start3A_1045 : memref<1x256xi32, #tpu.memory_space<vmem>> -> memref<256xi32, #tpu.memory_space<vmem>>
      %dma_start3A_1047 = arith.constant 0 : i32
      %dma_start3A_1048 = arith.constant 0 : i32
      %dma_start3A_1049 = tpu.memref_slice %arg3[%dma_start3A_1047, %dma_start3A_1048] : memref<1000000x64xf32, #tpu.memory_space<hbm>> -> memref<1000000x64xf32, #tpu.memory_space<hbm>>
      tpu.enqueue_indirect_dma source(%dma_start3A_1049 : memref<1000000x64xf32, #tpu.memory_space<hbm>>) target(%dma_start3A_1044 : memref<256x64xf32, #tpu.memory_space<vmem>>) offsets(%dma_start3A_1046 : memref<256xi32, #tpu.memory_space<vmem>>) semaphore(%arg10 : memref<!tpu.dma_semaphore, #tpu.memory_space<semaphore_mem>>)
      %jit3A_1050 = arith.constant 2 : i32
      %div3A_1051 = arith.divsi %add3A_935, %jit3A_1050 : i32
      %sign3A_1052 = arith.constant 0 : i32
      %sign3A_1053 = arith.cmpi sgt, %add3A_935, %sign3A_1052 : i32
      %sign3A_1054 = arith.extui %sign3A_1053 : i1 to i32
      %sign3A_1055 = arith.constant 0 : i32
      %sign3A_1056 = arith.cmpi slt, %add3A_935, %sign3A_1055 : i32
      %sign3A_1057 = arith.extui %sign3A_1056 : i1 to i32
      %sign3A_1058 = arith.subi %sign3A_1054, %sign3A_1057 : i32
      %sign3A_1059 = arith.constant 0 : i32
      %sign3A_1060 = arith.cmpi sgt, %jit3A_1050, %sign3A_1059 : i32
      %sign3A_1061 = arith.extui %sign3A_1060 : i1 to i32
      %sign3A_1062 = arith.constant 0 : i32
      %sign3A_1063 = arith.cmpi slt, %jit3A_1050, %sign3A_1062 : i32
      %sign3A_1064 = arith.extui %sign3A_1063 : i1 to i32
      %sign3A_1065 = arith.subi %sign3A_1061, %sign3A_1064 : i32
      %ne3A_1066 = arith.cmpi ne, %sign3A_1058, %sign3A_1065 : i32
      %rem3A_1067 = arith.remsi %add3A_935, %jit3A_1050 : i32
      %ne3A_1068 = arith.constant 0 : i32
      %ne3A_1069 = arith.cmpi ne, %rem3A_1067, %ne3A_1068 : i32
      %and3A_1070 = arith.andi %ne3A_1066, %ne3A_1069 : i1
      %sub3A_1071 = arith.constant 1 : i32
      %sub3A_1072 = arith.subi %div3A_1051, %sub3A_1071 : i32
      %select_n3A_1073 = arith.select %and3A_1070, %sub3A_1072, %div3A_1051 : i32
      %jit3A_1074 = arith.constant 2 : i32
      %eq3A_1075 = arith.constant 0 : i32
      %eq3A_1076 = arith.cmpi eq, %jit3A_1074, %eq3A_1075 : i32
      %jit3A_1077 = arith.constant 1 : i32
      %select_n3A_1078 = arith.select %eq3A_1076, %jit3A_1077, %jit3A_1074 : i32
      %rem3A_1079 = arith.remsi %add3A_935, %select_n3A_1078 : i32
      %ne3A_1080 = arith.constant 0 : i32
      %ne3A_1081 = arith.cmpi ne, %rem3A_1079, %ne3A_1080 : i32
      %lt3A_1082 = arith.constant 0 : i32
      %lt3A_1083 = arith.cmpi slt, %rem3A_1079, %lt3A_1082 : i32
      %lt3A_1084 = arith.constant 0 : i32
      %lt3A_1085 = arith.cmpi slt, %select_n3A_1078, %lt3A_1084 : i32
      %ne3A_1086 = arith.xori %lt3A_1083, %lt3A_1085 : i1
      %and3A_1087 = arith.andi %ne3A_1086, %ne3A_1081 : i1
      %add3A_1088 = arith.addi %rem3A_1079, %select_n3A_1078 : i32
      %select_n3A_1089 = arith.select %and3A_1087, %add3A_1088, %rem3A_1079 : i32
      %mul3A_1090 = arith.constant 256 : i32
      %mul3A_1091 = arith.muli %select_n3A_1089, %mul3A_1090 : i32
      %dma_wait3A_1092 = arith.constant 0 : i32
      %dma_wait3A_1093 = arith.constant 0 : i32
      %dma_wait3A_1094 = arith.constant 0 : i32
      %dma_wait3A_1095 = tpu.memref_slice %arg6[%dma_wait3A_1092, %dma_wait3A_1093, %dma_wait3A_1094] : memref<4x256x64xf32, #tpu.memory_space<vmem>> -> memref<1x256x64xf32, #tpu.memory_space<vmem>>
      %dma_wait3A_1096 = tpu.memref_squeeze %dma_wait3A_1095 : memref<1x256x64xf32, #tpu.memory_space<vmem>> -> memref<256x64xf32, #tpu.memory_space<vmem>>
      %dma_wait3A_1097 = tpu.memref_slice %arg5[%select_n3A_1073, %mul3A_1091] : memref<50x512xi32, #tpu.memory_space<vmem>> -> memref<1x256xi32, #tpu.memory_space<vmem>>
      %dma_wait3A_1098 = tpu.memref_squeeze %dma_wait3A_1097 : memref<1x256xi32, #tpu.memory_space<vmem>> -> memref<256xi32, #tpu.memory_space<vmem>>
      %dma_wait3A_1099 = arith.constant 0 : i32
      %dma_wait3A_1100 = arith.constant 0 : i32
      %dma_wait3A_1101 = tpu.memref_slice %arg3[%dma_wait3A_1099, %dma_wait3A_1100] : memref<1000000x64xf32, #tpu.memory_space<hbm>> -> memref<1000000x64xf32, #tpu.memory_space<hbm>>
      tpu.wait_indirect_dma semaphore(%arg7 : memref<!tpu.dma_semaphore, #tpu.memory_space<semaphore_mem>>) src(%dma_wait3A_1101 : memref<1000000x64xf32, #tpu.memory_space<hbm>>) dst(%dma_wait3A_1096 : memref<256x64xf32, #tpu.memory_space<vmem>>)
      %jit3A_1102 = arith.constant 2 : i32
      %div3A_1103 = arith.divsi %add3A_935, %jit3A_1102 : i32
      %sign3A_1104 = arith.constant 0 : i32
      %sign3A_1105 = arith.cmpi sgt, %add3A_935, %sign3A_1104 : i32
      %sign3A_1106 = arith.extui %sign3A_1105 : i1 to i32
      %sign3A_1107 = arith.constant 0 : i32
      %sign3A_1108 = arith.cmpi slt, %add3A_935, %sign3A_1107 : i32
      %sign3A_1109 = arith.extui %sign3A_1108 : i1 to i32
      %sign3A_1110 = arith.subi %sign3A_1106, %sign3A_1109 : i32
      %sign3A_1111 = arith.constant 0 : i32
      %sign3A_1112 = arith.cmpi sgt, %jit3A_1102, %sign3A_1111 : i32
      %sign3A_1113 = arith.extui %sign3A_1112 : i1 to i32
      %sign3A_1114 = arith.constant 0 : i32
      %sign3A_1115 = arith.cmpi slt, %jit3A_1102, %sign3A_1114 : i32
      %sign3A_1116 = arith.extui %sign3A_1115 : i1 to i32
      %sign3A_1117 = arith.subi %sign3A_1113, %sign3A_1116 : i32
      %ne3A_1118 = arith.cmpi ne, %sign3A_1110, %sign3A_1117 : i32
      %rem3A_1119 = arith.remsi %add3A_935, %jit3A_1102 : i32
      %ne3A_1120 = arith.constant 0 : i32
      %ne3A_1121 = arith.cmpi ne, %rem3A_1119, %ne3A_1120 : i32
      %and3A_1122 = arith.andi %ne3A_1118, %ne3A_1121 : i1
      %sub3A_1123 = arith.constant 1 : i32
      %sub3A_1124 = arith.subi %div3A_1103, %sub3A_1123 : i32
      %select_n3A_1125 = arith.select %and3A_1122, %sub3A_1124, %div3A_1103 : i32
      %jit3A_1126 = arith.constant 2 : i32
      %eq3A_1127 = arith.constant 0 : i32
      %eq3A_1128 = arith.cmpi eq, %jit3A_1126, %eq3A_1127 : i32
      %jit3A_1129 = arith.constant 1 : i32
      %select_n3A_1130 = arith.select %eq3A_1128, %jit3A_1129, %jit3A_1126 : i32
      %rem3A_1131 = arith.remsi %add3A_935, %select_n3A_1130 : i32
      %ne3A_1132 = arith.constant 0 : i32
      %ne3A_1133 = arith.cmpi ne, %rem3A_1131, %ne3A_1132 : i32
      %lt3A_1134 = arith.constant 0 : i32
      %lt3A_1135 = arith.cmpi slt, %rem3A_1131, %lt3A_1134 : i32
      %lt3A_1136 = arith.constant 0 : i32
      %lt3A_1137 = arith.cmpi slt, %select_n3A_1130, %lt3A_1136 : i32
      %ne3A_1138 = arith.xori %lt3A_1135, %lt3A_1137 : i1
      %and3A_1139 = arith.andi %ne3A_1138, %ne3A_1133 : i1
      %add3A_1140 = arith.addi %rem3A_1131, %select_n3A_1130 : i32
      %select_n3A_1141 = arith.select %and3A_1139, %add3A_1140, %rem3A_1131 : i32
      %mul3A_1142 = arith.constant 256 : i32
      %mul3A_1143 = arith.muli %select_n3A_1141, %mul3A_1142 : i32
      %add3A_1144 = arith.addi %mul3A_2, %mul3A_1143 : i32
      %dma_start3A_1145 = arith.constant 0 : i32
      %dma_start3A_1146 = arith.constant 0 : i32
      %dma_start3A_1147 = arith.constant 0 : i32
      %dma_start3A_1148 = tpu.memref_slice %arg6[%dma_start3A_1145, %dma_start3A_1146, %dma_start3A_1147] : memref<4x256x64xf32, #tpu.memory_space<vmem>> -> memref<1x256x64xf32, #tpu.memory_space<vmem>>
      %dma_start3A_1149 = tpu.memref_squeeze %dma_start3A_1148 : memref<1x256x64xf32, #tpu.memory_space<vmem>> -> memref<256x64xf32, #tpu.memory_space<vmem>>
      %dma_start3A_1150 = arith.constant 0 : i32
      %dma_start3A_1151 = tpu.memref_slice %arg4[%select_n3A_1125, %add3A_1144, %dma_start3A_1150] : memref<50x16384x64xf32, #tpu.memory_space<hbm>> -> memref<1x256x64xf32, #tpu.memory_space<hbm>>
      %dma_start3A_1152 = tpu.memref_squeeze %dma_start3A_1151 : memref<1x256x64xf32, #tpu.memory_space<hbm>> -> memref<256x64xf32, #tpu.memory_space<hbm>>
      %dma_start3A_1153 = arith.constant 0 : i32
      %dma_start3A_1154 = tpu.memref_slice %arg4[%select_n3A_1125, %add3A_1144, %dma_start3A_1153] : memref<50x16384x64xf32, #tpu.memory_space<hbm>> -> memref<1x256x64xf32, #tpu.memory_space<hbm>>
      %dma_start3A_1155 = tpu.memref_squeeze %dma_start3A_1154 : memref<1x256x64xf32, #tpu.memory_space<hbm>> -> memref<256x64xf32, #tpu.memory_space<hbm>>
      %dma_start3A_1156 = arith.constant 0 : i32
      %dma_start3A_1157 = arith.constant 0 : i32
      %dma_start3A_1158 = tpu.memref_slice %arg6[%dma_start3A_1145, %dma_start3A_1156, %dma_start3A_1157] : memref<4x256x64xf32, #tpu.memory_space<vmem>> -> memref<1x256x64xf32, #tpu.memory_space<vmem>>
      %dma_start3A_1159 = tpu.memref_squeeze %dma_start3A_1158 : memref<1x256x64xf32, #tpu.memory_space<vmem>> -> memref<256x64xf32, #tpu.memory_space<vmem>>
      tpu.enqueue_dma source(%dma_start3A_1159 : memref<256x64xf32, #tpu.memory_space<vmem>>) target(%dma_start3A_1155 : memref<256x64xf32, #tpu.memory_space<hbm>>) target_semaphore(%arg11 : memref<!tpu.dma_semaphore, #tpu.memory_space<semaphore_mem>>)
    }
    %scan3A_82 = arith.constant 24 : i32
    %add3A_83 = arith.constant 0 : i32
    %add3A_84 = arith.addi %mul3A_2, %add3A_83 : i32
    %dma_wait3A_85 = arith.constant 0 : i32
    %dma_wait3A_86 = arith.constant 48 : i32
    %dma_wait3A_87 = arith.constant 0 : i32
    %dma_wait3A_88 = arith.constant 0 : i32
    %dma_wait3A_89 = tpu.memref_slice %arg6[%dma_wait3A_85, %dma_wait3A_87, %dma_wait3A_88] : memref<4x256x64xf32, #tpu.memory_space<vmem>> -> memref<1x256x64xf32, #tpu.memory_space<vmem>>
    %dma_wait3A_90 = tpu.memref_squeeze %dma_wait3A_89 : memref<1x256x64xf32, #tpu.memory_space<vmem>> -> memref<256x64xf32, #tpu.memory_space<vmem>>
    %dma_wait3A_91 = arith.constant 0 : i32
    %dma_wait3A_92 = tpu.memref_slice %arg4[%dma_wait3A_86, %add3A_84, %dma_wait3A_91] : memref<50x16384x64xf32, #tpu.memory_space<hbm>> -> memref<1x256x64xf32, #tpu.memory_space<hbm>>
    %dma_wait3A_93 = tpu.memref_squeeze %dma_wait3A_92 : memref<1x256x64xf32, #tpu.memory_space<hbm>> -> memref<256x64xf32, #tpu.memory_space<hbm>>
    %dma_wait3A_94 = arith.constant 0 : i32
    %dma_wait3A_95 = tpu.memref_slice %arg4[%dma_wait3A_86, %add3A_84, %dma_wait3A_94] : memref<50x16384x64xf32, #tpu.memory_space<hbm>> -> memref<1x256x64xf32, #tpu.memory_space<hbm>>
    %dma_wait3A_96 = tpu.memref_squeeze %dma_wait3A_95 : memref<1x256x64xf32, #tpu.memory_space<hbm>> -> memref<256x64xf32, #tpu.memory_space<hbm>>
    %dma_wait3A_97 = arith.constant 0 : i32
    %dma_wait3A_98 = arith.constant 0 : i32
    %dma_wait3A_99 = tpu.memref_slice %arg6[%dma_wait3A_85, %dma_wait3A_97, %dma_wait3A_98] : memref<4x256x64xf32, #tpu.memory_space<vmem>> -> memref<1x256x64xf32, #tpu.memory_space<vmem>>
    %dma_wait3A_100 = tpu.memref_squeeze %dma_wait3A_99 : memref<1x256x64xf32, #tpu.memory_space<vmem>> -> memref<256x64xf32, #tpu.memory_space<vmem>>
    tpu.wait_dma2 semaphore(%arg11 : memref<!tpu.dma_semaphore, #tpu.memory_space<semaphore_mem>>) src(%dma_wait3A_100 : memref<256x64xf32, #tpu.memory_space<vmem>>) dst(%dma_wait3A_96 : memref<256x64xf32, #tpu.memory_space<hbm>>)
    %dma_wait3A_101 = arith.constant 48 : i32
    %dma_wait3A_102 = arith.constant 1 : i32
    %dma_wait3A_103 = arith.constant 0 : i32
    %dma_wait3A_104 = arith.constant 0 : i32
    %dma_wait3A_105 = tpu.memref_slice %arg6[%dma_wait3A_102, %dma_wait3A_103, %dma_wait3A_104] : memref<4x256x64xf32, #tpu.memory_space<vmem>> -> memref<1x256x64xf32, #tpu.memory_space<vmem>>
    %dma_wait3A_106 = tpu.memref_squeeze %dma_wait3A_105 : memref<1x256x64xf32, #tpu.memory_space<vmem>> -> memref<256x64xf32, #tpu.memory_space<vmem>>
    %dma_wait3A_107 = arith.constant 256 : i32
    %dma_wait3A_108 = tpu.memref_slice %arg5[%dma_wait3A_101, %dma_wait3A_107] : memref<50x512xi32, #tpu.memory_space<vmem>> -> memref<1x256xi32, #tpu.memory_space<vmem>>
    %dma_wait3A_109 = tpu.memref_squeeze %dma_wait3A_108 : memref<1x256xi32, #tpu.memory_space<vmem>> -> memref<256xi32, #tpu.memory_space<vmem>>
    %dma_wait3A_110 = arith.constant 0 : i32
    %dma_wait3A_111 = arith.constant 0 : i32
    %dma_wait3A_112 = tpu.memref_slice %arg3[%dma_wait3A_110, %dma_wait3A_111] : memref<1000000x64xf32, #tpu.memory_space<hbm>> -> memref<1000000x64xf32, #tpu.memory_space<hbm>>
    tpu.wait_indirect_dma semaphore(%arg8 : memref<!tpu.dma_semaphore, #tpu.memory_space<semaphore_mem>>) src(%dma_wait3A_112 : memref<1000000x64xf32, #tpu.memory_space<hbm>>) dst(%dma_wait3A_106 : memref<256x64xf32, #tpu.memory_space<vmem>>)
    %add3A_113 = arith.constant 256 : i32
    %add3A_114 = arith.addi %mul3A_2, %add3A_113 : i32
    %dma_start3A_115 = arith.constant 1 : i32
    %dma_start3A_116 = arith.constant 48 : i32
    %dma_start3A_117 = arith.constant 0 : i32
    %dma_start3A_118 = arith.constant 0 : i32
    %dma_start3A_119 = tpu.memref_slice %arg6[%dma_start3A_115, %dma_start3A_117, %dma_start3A_118] : memref<4x256x64xf32, #tpu.memory_space<vmem>> -> memref<1x256x64xf32, #tpu.memory_space<vmem>>
    %dma_start3A_120 = tpu.memref_squeeze %dma_start3A_119 : memref<1x256x64xf32, #tpu.memory_space<vmem>> -> memref<256x64xf32, #tpu.memory_space<vmem>>
    %dma_start3A_121 = arith.constant 0 : i32
    %dma_start3A_122 = tpu.memref_slice %arg4[%dma_start3A_116, %add3A_114, %dma_start3A_121] : memref<50x16384x64xf32, #tpu.memory_space<hbm>> -> memref<1x256x64xf32, #tpu.memory_space<hbm>>
    %dma_start3A_123 = tpu.memref_squeeze %dma_start3A_122 : memref<1x256x64xf32, #tpu.memory_space<hbm>> -> memref<256x64xf32, #tpu.memory_space<hbm>>
    %dma_start3A_124 = arith.constant 0 : i32
    %dma_start3A_125 = tpu.memref_slice %arg4[%dma_start3A_116, %add3A_114, %dma_start3A_124] : memref<50x16384x64xf32, #tpu.memory_space<hbm>> -> memref<1x256x64xf32, #tpu.memory_space<hbm>>
    %dma_start3A_126 = tpu.memref_squeeze %dma_start3A_125 : memref<1x256x64xf32, #tpu.memory_space<hbm>> -> memref<256x64xf32, #tpu.memory_space<hbm>>
    %dma_start3A_127 = arith.constant 0 : i32
    %dma_start3A_128 = arith.constant 0 : i32
    %dma_start3A_129 = tpu.memref_slice %arg6[%dma_start3A_115, %dma_start3A_127, %dma_start3A_128] : memref<4x256x64xf32, #tpu.memory_space<vmem>> -> memref<1x256x64xf32, #tpu.memory_space<vmem>>
    %dma_start3A_130 = tpu.memref_squeeze %dma_start3A_129 : memref<1x256x64xf32, #tpu.memory_space<vmem>> -> memref<256x64xf32, #tpu.memory_space<vmem>>
    tpu.enqueue_dma source(%dma_start3A_130 : memref<256x64xf32, #tpu.memory_space<vmem>>) target(%dma_start3A_126 : memref<256x64xf32, #tpu.memory_space<hbm>>) target_semaphore(%arg12 : memref<!tpu.dma_semaphore, #tpu.memory_space<semaphore_mem>>)
    %dma_wait3A_131 = arith.constant 49 : i32
    %dma_wait3A_132 = arith.constant 2 : i32
    %dma_wait3A_133 = arith.constant 0 : i32
    %dma_wait3A_134 = arith.constant 0 : i32
    %dma_wait3A_135 = tpu.memref_slice %arg6[%dma_wait3A_132, %dma_wait3A_133, %dma_wait3A_134] : memref<4x256x64xf32, #tpu.memory_space<vmem>> -> memref<1x256x64xf32, #tpu.memory_space<vmem>>
    %dma_wait3A_136 = tpu.memref_squeeze %dma_wait3A_135 : memref<1x256x64xf32, #tpu.memory_space<vmem>> -> memref<256x64xf32, #tpu.memory_space<vmem>>
    %dma_wait3A_137 = arith.constant 0 : i32
    %dma_wait3A_138 = tpu.memref_slice %arg5[%dma_wait3A_131, %dma_wait3A_137] : memref<50x512xi32, #tpu.memory_space<vmem>> -> memref<1x256xi32, #tpu.memory_space<vmem>>
    %dma_wait3A_139 = tpu.memref_squeeze %dma_wait3A_138 : memref<1x256xi32, #tpu.memory_space<vmem>> -> memref<256xi32, #tpu.memory_space<vmem>>
    %dma_wait3A_140 = arith.constant 0 : i32
    %dma_wait3A_141 = arith.constant 0 : i32
    %dma_wait3A_142 = tpu.memref_slice %arg3[%dma_wait3A_140, %dma_wait3A_141] : memref<1000000x64xf32, #tpu.memory_space<hbm>> -> memref<1000000x64xf32, #tpu.memory_space<hbm>>
    tpu.wait_indirect_dma semaphore(%arg9 : memref<!tpu.dma_semaphore, #tpu.memory_space<semaphore_mem>>) src(%dma_wait3A_142 : memref<1000000x64xf32, #tpu.memory_space<hbm>>) dst(%dma_wait3A_136 : memref<256x64xf32, #tpu.memory_space<vmem>>)
    %add3A_143 = arith.constant 0 : i32
    %add3A_144 = arith.addi %mul3A_2, %add3A_143 : i32
    %dma_start3A_145 = arith.constant 2 : i32
    %dma_start3A_146 = arith.constant 49 : i32
    %dma_start3A_147 = arith.constant 0 : i32
    %dma_start3A_148 = arith.constant 0 : i32
    %dma_start3A_149 = tpu.memref_slice %arg6[%dma_start3A_145, %dma_start3A_147, %dma_start3A_148] : memref<4x256x64xf32, #tpu.memory_space<vmem>> -> memref<1x256x64xf32, #tpu.memory_space<vmem>>
    %dma_start3A_150 = tpu.memref_squeeze %dma_start3A_149 : memref<1x256x64xf32, #tpu.memory_space<vmem>> -> memref<256x64xf32, #tpu.memory_space<vmem>>
    %dma_start3A_151 = arith.constant 0 : i32
    %dma_start3A_152 = tpu.memref_slice %arg4[%dma_start3A_146, %add3A_144, %dma_start3A_151] : memref<50x16384x64xf32, #tpu.memory_space<hbm>> -> memref<1x256x64xf32, #tpu.memory_space<hbm>>
    %dma_start3A_153 = tpu.memref_squeeze %dma_start3A_152 : memref<1x256x64xf32, #tpu.memory_space<hbm>> -> memref<256x64xf32, #tpu.memory_space<hbm>>
    %dma_start3A_154 = arith.constant 0 : i32
    %dma_start3A_155 = tpu.memref_slice %arg4[%dma_start3A_146, %add3A_144, %dma_start3A_154] : memref<50x16384x64xf32, #tpu.memory_space<hbm>> -> memref<1x256x64xf32, #tpu.memory_space<hbm>>
    %dma_start3A_156 = tpu.memref_squeeze %dma_start3A_155 : memref<1x256x64xf32, #tpu.memory_space<hbm>> -> memref<256x64xf32, #tpu.memory_space<hbm>>
    %dma_start3A_157 = arith.constant 0 : i32
    %dma_start3A_158 = arith.constant 0 : i32
    %dma_start3A_159 = tpu.memref_slice %arg6[%dma_start3A_145, %dma_start3A_157, %dma_start3A_158] : memref<4x256x64xf32, #tpu.memory_space<vmem>> -> memref<1x256x64xf32, #tpu.memory_space<vmem>>
    %dma_start3A_160 = tpu.memref_squeeze %dma_start3A_159 : memref<1x256x64xf32, #tpu.memory_space<vmem>> -> memref<256x64xf32, #tpu.memory_space<vmem>>
    tpu.enqueue_dma source(%dma_start3A_160 : memref<256x64xf32, #tpu.memory_space<vmem>>) target(%dma_start3A_156 : memref<256x64xf32, #tpu.memory_space<hbm>>) target_semaphore(%arg13 : memref<!tpu.dma_semaphore, #tpu.memory_space<semaphore_mem>>)
    %dma_wait3A_161 = arith.constant 49 : i32
    %dma_wait3A_162 = arith.constant 3 : i32
    %dma_wait3A_163 = arith.constant 0 : i32
    %dma_wait3A_164 = arith.constant 0 : i32
    %dma_wait3A_165 = tpu.memref_slice %arg6[%dma_wait3A_162, %dma_wait3A_163, %dma_wait3A_164] : memref<4x256x64xf32, #tpu.memory_space<vmem>> -> memref<1x256x64xf32, #tpu.memory_space<vmem>>
    %dma_wait3A_166 = tpu.memref_squeeze %dma_wait3A_165 : memref<1x256x64xf32, #tpu.memory_space<vmem>> -> memref<256x64xf32, #tpu.memory_space<vmem>>
    %dma_wait3A_167 = arith.constant 256 : i32
    %dma_wait3A_168 = tpu.memref_slice %arg5[%dma_wait3A_161, %dma_wait3A_167] : memref<50x512xi32, #tpu.memory_space<vmem>> -> memref<1x256xi32, #tpu.memory_space<vmem>>
    %dma_wait3A_169 = tpu.memref_squeeze %dma_wait3A_168 : memref<1x256xi32, #tpu.memory_space<vmem>> -> memref<256xi32, #tpu.memory_space<vmem>>
    %dma_wait3A_170 = arith.constant 0 : i32
    %dma_wait3A_171 = arith.constant 0 : i32
    %dma_wait3A_172 = tpu.memref_slice %arg3[%dma_wait3A_170, %dma_wait3A_171] : memref<1000000x64xf32, #tpu.memory_space<hbm>> -> memref<1000000x64xf32, #tpu.memory_space<hbm>>
    tpu.wait_indirect_dma semaphore(%arg10 : memref<!tpu.dma_semaphore, #tpu.memory_space<semaphore_mem>>) src(%dma_wait3A_172 : memref<1000000x64xf32, #tpu.memory_space<hbm>>) dst(%dma_wait3A_166 : memref<256x64xf32, #tpu.memory_space<vmem>>)
    %add3A_173 = arith.constant 256 : i32
    %add3A_174 = arith.addi %mul3A_2, %add3A_173 : i32
    %dma_start3A_175 = arith.constant 3 : i32
    %dma_start3A_176 = arith.constant 49 : i32
    %dma_start3A_177 = arith.constant 0 : i32
    %dma_start3A_178 = arith.constant 0 : i32
    %dma_start3A_179 = tpu.memref_slice %arg6[%dma_start3A_175, %dma_start3A_177, %dma_start3A_178] : memref<4x256x64xf32, #tpu.memory_space<vmem>> -> memref<1x256x64xf32, #tpu.memory_space<vmem>>
    %dma_start3A_180 = tpu.memref_squeeze %dma_start3A_179 : memref<1x256x64xf32, #tpu.memory_space<vmem>> -> memref<256x64xf32, #tpu.memory_space<vmem>>
    %dma_start3A_181 = arith.constant 0 : i32
    %dma_start3A_182 = tpu.memref_slice %arg4[%dma_start3A_176, %add3A_174, %dma_start3A_181] : memref<50x16384x64xf32, #tpu.memory_space<hbm>> -> memref<1x256x64xf32, #tpu.memory_space<hbm>>
    %dma_start3A_183 = tpu.memref_squeeze %dma_start3A_182 : memref<1x256x64xf32, #tpu.memory_space<hbm>> -> memref<256x64xf32, #tpu.memory_space<hbm>>
    %dma_start3A_184 = arith.constant 0 : i32
    %dma_start3A_185 = tpu.memref_slice %arg4[%dma_start3A_176, %add3A_174, %dma_start3A_184] : memref<50x16384x64xf32, #tpu.memory_space<hbm>> -> memref<1x256x64xf32, #tpu.memory_space<hbm>>
    %dma_start3A_186 = tpu.memref_squeeze %dma_start3A_185 : memref<1x256x64xf32, #tpu.memory_space<hbm>> -> memref<256x64xf32, #tpu.memory_space<hbm>>
    %dma_start3A_187 = arith.constant 0 : i32
    %dma_start3A_188 = arith.constant 0 : i32
    %dma_start3A_189 = tpu.memref_slice %arg6[%dma_start3A_175, %dma_start3A_187, %dma_start3A_188] : memref<4x256x64xf32, #tpu.memory_space<vmem>> -> memref<1x256x64xf32, #tpu.memory_space<vmem>>
    %dma_start3A_190 = tpu.memref_squeeze %dma_start3A_189 : memref<1x256x64xf32, #tpu.memory_space<vmem>> -> memref<256x64xf32, #tpu.memory_space<vmem>>
    tpu.enqueue_dma source(%dma_start3A_190 : memref<256x64xf32, #tpu.memory_space<vmem>>) target(%dma_start3A_186 : memref<256x64xf32, #tpu.memory_space<hbm>>) target_semaphore(%arg14 : memref<!tpu.dma_semaphore, #tpu.memory_space<semaphore_mem>>)
    %add3A_191 = arith.constant 256 : i32
    %add3A_192 = arith.addi %mul3A_2, %add3A_191 : i32
    %dma_wait3A_193 = arith.constant 1 : i32
    %dma_wait3A_194 = arith.constant 48 : i32
    %dma_wait3A_195 = arith.constant 0 : i32
    %dma_wait3A_196 = arith.constant 0 : i32
    %dma_wait3A_197 = tpu.memref_slice %arg6[%dma_wait3A_193, %dma_wait3A_195, %dma_wait3A_196] : memref<4x256x64xf32, #tpu.memory_space<vmem>> -> memref<1x256x64xf32, #tpu.memory_space<vmem>>
    %dma_wait3A_198 = tpu.memref_squeeze %dma_wait3A_197 : memref<1x256x64xf32, #tpu.memory_space<vmem>> -> memref<256x64xf32, #tpu.memory_space<vmem>>
    %dma_wait3A_199 = arith.constant 0 : i32
    %dma_wait3A_200 = tpu.memref_slice %arg4[%dma_wait3A_194, %add3A_192, %dma_wait3A_199] : memref<50x16384x64xf32, #tpu.memory_space<hbm>> -> memref<1x256x64xf32, #tpu.memory_space<hbm>>
    %dma_wait3A_201 = tpu.memref_squeeze %dma_wait3A_200 : memref<1x256x64xf32, #tpu.memory_space<hbm>> -> memref<256x64xf32, #tpu.memory_space<hbm>>
    %dma_wait3A_202 = arith.constant 0 : i32
    %dma_wait3A_203 = tpu.memref_slice %arg4[%dma_wait3A_194, %add3A_192, %dma_wait3A_202] : memref<50x16384x64xf32, #tpu.memory_space<hbm>> -> memref<1x256x64xf32, #tpu.memory_space<hbm>>
    %dma_wait3A_204 = tpu.memref_squeeze %dma_wait3A_203 : memref<1x256x64xf32, #tpu.memory_space<hbm>> -> memref<256x64xf32, #tpu.memory_space<hbm>>
    %dma_wait3A_205 = arith.constant 0 : i32
    %dma_wait3A_206 = arith.constant 0 : i32
    %dma_wait3A_207 = tpu.memref_slice %arg6[%dma_wait3A_193, %dma_wait3A_205, %dma_wait3A_206] : memref<4x256x64xf32, #tpu.memory_space<vmem>> -> memref<1x256x64xf32, #tpu.memory_space<vmem>>
    %dma_wait3A_208 = tpu.memref_squeeze %dma_wait3A_207 : memref<1x256x64xf32, #tpu.memory_space<vmem>> -> memref<256x64xf32, #tpu.memory_space<vmem>>
    tpu.wait_dma2 semaphore(%arg12 : memref<!tpu.dma_semaphore, #tpu.memory_space<semaphore_mem>>) src(%dma_wait3A_208 : memref<256x64xf32, #tpu.memory_space<vmem>>) dst(%dma_wait3A_204 : memref<256x64xf32, #tpu.memory_space<hbm>>)
    %add3A_209 = arith.constant 0 : i32
    %add3A_210 = arith.addi %mul3A_2, %add3A_209 : i32
    %dma_wait3A_211 = arith.constant 2 : i32
    %dma_wait3A_212 = arith.constant 49 : i32
    %dma_wait3A_213 = arith.constant 0 : i32
    %dma_wait3A_214 = arith.constant 0 : i32
    %dma_wait3A_215 = tpu.memref_slice %arg6[%dma_wait3A_211, %dma_wait3A_213, %dma_wait3A_214] : memref<4x256x64xf32, #tpu.memory_space<vmem>> -> memref<1x256x64xf32, #tpu.memory_space<vmem>>
    %dma_wait3A_216 = tpu.memref_squeeze %dma_wait3A_215 : memref<1x256x64xf32, #tpu.memory_space<vmem>> -> memref<256x64xf32, #tpu.memory_space<vmem>>
    %dma_wait3A_217 = arith.constant 0 : i32
    %dma_wait3A_218 = tpu.memref_slice %arg4[%dma_wait3A_212, %add3A_210, %dma_wait3A_217] : memref<50x16384x64xf32, #tpu.memory_space<hbm>> -> memref<1x256x64xf32, #tpu.memory_space<hbm>>
    %dma_wait3A_219 = tpu.memref_squeeze %dma_wait3A_218 : memref<1x256x64xf32, #tpu.memory_space<hbm>> -> memref<256x64xf32, #tpu.memory_space<hbm>>
    %dma_wait3A_220 = arith.constant 0 : i32
    %dma_wait3A_221 = tpu.memref_slice %arg4[%dma_wait3A_212, %add3A_210, %dma_wait3A_220] : memref<50x16384x64xf32, #tpu.memory_space<hbm>> -> memref<1x256x64xf32, #tpu.memory_space<hbm>>
    %dma_wait3A_222 = tpu.memref_squeeze %dma_wait3A_221 : memref<1x256x64xf32, #tpu.memory_space<hbm>> -> memref<256x64xf32, #tpu.memory_space<hbm>>
    %dma_wait3A_223 = arith.constant 0 : i32
    %dma_wait3A_224 = arith.constant 0 : i32
    %dma_wait3A_225 = tpu.memref_slice %arg6[%dma_wait3A_211, %dma_wait3A_223, %dma_wait3A_224] : memref<4x256x64xf32, #tpu.memory_space<vmem>> -> memref<1x256x64xf32, #tpu.memory_space<vmem>>
    %dma_wait3A_226 = tpu.memref_squeeze %dma_wait3A_225 : memref<1x256x64xf32, #tpu.memory_space<vmem>> -> memref<256x64xf32, #tpu.memory_space<vmem>>
    tpu.wait_dma2 semaphore(%arg13 : memref<!tpu.dma_semaphore, #tpu.memory_space<semaphore_mem>>) src(%dma_wait3A_226 : memref<256x64xf32, #tpu.memory_space<vmem>>) dst(%dma_wait3A_222 : memref<256x64xf32, #tpu.memory_space<hbm>>)
    %add3A_227 = arith.constant 256 : i32
    %add3A_228 = arith.addi %mul3A_2, %add3A_227 : i32
    %dma_wait3A_229 = arith.constant 3 : i32
    %dma_wait3A_230 = arith.constant 49 : i32
    %dma_wait3A_231 = arith.constant 0 : i32
    %dma_wait3A_232 = arith.constant 0 : i32
    %dma_wait3A_233 = tpu.memref_slice %arg6[%dma_wait3A_229, %dma_wait3A_231, %dma_wait3A_232] : memref<4x256x64xf32, #tpu.memory_space<vmem>> -> memref<1x256x64xf32, #tpu.memory_space<vmem>>
    %dma_wait3A_234 = tpu.memref_squeeze %dma_wait3A_233 : memref<1x256x64xf32, #tpu.memory_space<vmem>> -> memref<256x64xf32, #tpu.memory_space<vmem>>
    %dma_wait3A_235 = arith.constant 0 : i32
    %dma_wait3A_236 = tpu.memref_slice %arg4[%dma_wait3A_230, %add3A_228, %dma_wait3A_235] : memref<50x16384x64xf32, #tpu.memory_space<hbm>> -> memref<1x256x64xf32, #tpu.memory_space<hbm>>
    %dma_wait3A_237 = tpu.memref_squeeze %dma_wait3A_236 : memref<1x256x64xf32, #tpu.memory_space<hbm>> -> memref<256x64xf32, #tpu.memory_space<hbm>>
    %dma_wait3A_238 = arith.constant 0 : i32
    %dma_wait3A_239 = tpu.memref_slice %arg4[%dma_wait3A_230, %add3A_228, %dma_wait3A_238] : memref<50x16384x64xf32, #tpu.memory_space<hbm>> -> memref<1x256x64xf32, #tpu.memory_space<hbm>>
    %dma_wait3A_240 = tpu.memref_squeeze %dma_wait3A_239 : memref<1x256x64xf32, #tpu.memory_space<hbm>> -> memref<256x64xf32, #tpu.memory_space<hbm>>
    %dma_wait3A_241 = arith.constant 0 : i32
    %dma_wait3A_242 = arith.constant 0 : i32
    %dma_wait3A_243 = tpu.memref_slice %arg6[%dma_wait3A_229, %dma_wait3A_241, %dma_wait3A_242] : memref<4x256x64xf32, #tpu.memory_space<vmem>> -> memref<1x256x64xf32, #tpu.memory_space<vmem>>
    %dma_wait3A_244 = tpu.memref_squeeze %dma_wait3A_243 : memref<1x256x64xf32, #tpu.memory_space<vmem>> -> memref<256x64xf32, #tpu.memory_space<vmem>>
    tpu.wait_dma2 semaphore(%arg14 : memref<!tpu.dma_semaphore, #tpu.memory_space<semaphore_mem>>) src(%dma_wait3A_244 : memref<256x64xf32, #tpu.memory_space<vmem>>) dst(%dma_wait3A_240 : memref<256x64xf32, #tpu.memory_space<hbm>>)
    return
  }
}

</mosaic_0001>

<sc_bundles>
// kernel: kernel.3.cloned.1.call-start
scs
__scs_entry_jumppad:
0x0: {  	(pc) =	sbr.rel $0x88, $3  }
0x1: {  	(tag) =	ssettag $0x0;
	lr =	simm.s32 $0x1  }
0x2: {  	[smem:$0x3F9F] =	sst lr;
	_ =	strace $0xD0000000  }
0x3: {  	_ = 	snop  }
0x4: {  	_ = 	snop  }
0x5: {  	_ = 	snop  }
0x6: {  	_ = 	snop  }
0x7: {  	_ = 	snop  }
__scs_overlays_trampoline_lowered:
0x8: {  	[smem:$0x3FAE] =	sst s0  }
0x9: {  	[smem:$0x3FAF] =	sst s1  }
0xa: {  	[smem:$0x3FB0] =	sst s2  }
0xb: {  	[smem:$0x3FB1] =	sst s3  }
0xc: {  	[smem:$0x3FB2] =	sst s4  }
0xd: {  	[smem:$0x3FB3] =	sst s5  }
0xe: {  	[smem:$0x3FB4] =	sst s6  }
0xf: {  	[smem:$0x3FB5] =	sst s7  }
0x10: {  	[smem:$0x3FB6] =	sst s8  }
0x11: {  	[smem:$0x3FB7] =	sst s9;
	s0 =	simm.s32 @!p0 $0x0  }
0x12: {  	s1 =	sld [smem:$0x3F9D];
	s0 =	simm.s32 @p0 $0x1  }
0x13: {  	[smem:$0x3FB8] =	sst s0;
	s0 =	simm.s32 @!p1 $0x0  }
0x14: {  	s2 =	sld [smem:$0x3F9C];
	s0 =	simm.s32 @p1 $0x1  }
0x15: {  	[smem:$0x3FB9] =	sst s0;
	s0 =	simm.s32 @!p2 $0x0  }
0x16: {  	s3 =	sld [smem:$0x3FDB];
	s0 =	simm.s32 @p2 $0x1  }
0x17: {  	s4 =	simm.s32 $0x1BF5;
	[smem:$0x3FBB] =	sst s0  }
0x18: {  	s0 =	sld [smem:$0x3F9E];
	_ =	swait.ge [sflag:s4], $0x0  }
0x19: {  	s7 =	sld [smem:$0x3F9F]  }
0x1a: {  	s8 =	sadd.s32 $0xFFFFE003, lr  }
0x1b: {  	s9 =	sadd.s32 $0xFFFFFEF7, lr;
	s5 =	simm.s32 $0xFFFFFFFF;
	p2 =	slt.u32 s8, $0xFFFFF086  }
0x1c: {  	p1 =	slt.u32 s9, $0xF7A;
	s5 =	simm.s32 @!p2 $0x0  }
0x1d: {  	s5 =	simm.s32 @p1 $0x1;
	p0 =	seq.s32 s7, s2  }
0x1e: {  	s7 =	smul.u32 @!p0 $0xF7A, s2;
	p2 =	seq.s32 @!p0 s5, $0x0  }
0x1f: {  	s9 =	smul.u32 $0xF7A, s1;
	s8 =	simm.s32 @!p0 $0x1BF5;
	p2 =	por !p2, p0  }
0x20: {  	[sflag:s8] =	ssyncset.s32 @!p0 $0xFFFFF086;
	s6 =	sadd.s32 @!p0 s3, s7;
	s7 =	simm.s32 @!p0 $0x108  }
0x21: {  	s3 =	sadd.s32 s3, s9;
	s6 =	sadd.s32 @!p0 $0x88, s6;
	s7 =	simm.s32 @p2 $0x1082  }
0x22: {  	[simem:s7], [sflag:s8] =	dma.local @!p0 [hbm:s6], $0xF7A  }
0x23: {  	s9 =	sor.u32 $0xD0000000, s2;
	s6 =	simm.s32 $0x108;
	_ =	swait.ge @!p0 [sflag:s8], $0x0  }
0x24: {  	s3 =	sadd.s32 $0x88, s3;
	s6 =	simm.s32 @!p1 $0x1082;
	[sflag:s4] =	ssyncset.s32 $0xFFFFF086  }
0x25: {  	[simem:s6], [sflag:s4] =	dma.local [hbm:s3], $0xF7A  }
0x26: {  	[smem:$0x3F9F] =	sst s1;
	(tag) =	ssettag s2;
	_ =	strace s9  }
0x27: {  	s1 =	sld [smem:$0x3FAF]  }
0x28: {  	s2 =	sld [smem:$0x3FB0]  }
0x29: {  	s4 =	sld [smem:$0x3FB2]  }
0x2a: {  	p0 =	seq.s32 s5, $0x0;
	s5 =	sld [smem:$0x3FB3]  }
0x2b: {  	s6 =	sld [smem:$0x3FB4]  }
0x2c: {  	s7 =	sld [smem:$0x3FB5]  }
0x2d: {  	s3 =	simm.s32 $0x108;
	s8 =	sld [smem:$0x3FB6]  }
0x2e: {  	s3 =	simm.s32 @!p0 $0x1082;
	s9 =	sld [smem:$0x3FB7]  }
0x2f: {  	lr =	sadd.s32 s0, s3;
	s0 =	sld [smem:$0x3FAE]  }
0x30: {  	s3 =	sld [smem:$0x3FB1]  }
0x31: {  	[smem:$0x3FBA] =	sst s10  }
0x32: {  	s10 =	sld [smem:$0x3FB8];
	_ =	sdelay $0x3  }
0x33: {  	p0 =	seq.s32 s10, $0x1;
	s10 =	sld [smem:$0x3FBA];
	_ =	sdelay $0x3  }
0x34: {  	[smem:$0x3FBA] =	sst s10  }
0x35: {  	s10 =	sld [smem:$0x3FB9];
	_ =	sdelay $0x3  }
0x36: {  	p1 =	seq.s32 s10, $0x1;
	s10 =	sld [smem:$0x3FBA];
	_ =	sdelay $0x3  }
0x37: {  	[smem:$0x3FBA] =	sst s10  }
0x38: {  	s10 =	sld [smem:$0x3FBB]  }
0x39: {  	_ = 	snop;
	(pc) =	sbr.ind lr, $3  }
0x3a: {  	_ = 	snop  }
0x3b: {  	_ = 	snop  }
0x3c: {  	p2 =	seq.s32 s10, $0x1;
	s10 =	sld [smem:$0x3FBA]  }
0x3d: {  	_ =	shalt  }
0x3e: {  	_ =	shalt  }
0x3f: {  	_ =	shalt  }
0x40: {  	_ =	shalt  }
0x41: {  	_ =	shalt  }
0x42: {  	_ =	shalt  }
0x43: {  	_ =	shalt  }
0x44: {  	_ =	shalt  }
0x45: {  	_ =	shalt  }
0x46: {  	_ =	shalt  }
0x47: {  	_ =	shalt  }
0x48: {  	_ =	shalt  }
0x49: {  	_ =	shalt  }
0x4a: {  	_ =	shalt  }
0x4b: {  	_ =	shalt  }
0x4c: {  	_ =	shalt  }
0x4d: {  	_ =	shalt  }
0x4e: {  	_ =	shalt  }
0x4f: {  	_ =	shalt  }
0x50: {  	_ =	shalt  }
0x51: {  	_ =	shalt  }
0x52: {  	_ =	shalt  }
0x53: {  	_ =	shalt  }
0x54: {  	_ =	shalt  }
0x55: {  	_ =	shalt  }
0x56: {  	_ =	shalt  }
0x57: {  	_ =	shalt  }
0x58: {  	_ =	shalt  }
0x59: {  	_ =	shalt  }
0x5a: {  	_ =	shalt  }
0x5b: {  	_ =	shalt  }
0x5c: {  	_ =	shalt  }
0x5d: {  	_ =	shalt  }
0x5e: {  	_ =	shalt  }
0x5f: {  	_ =	shalt  }
0x60: {  	_ =	shalt  }
0x61: {  	_ =	shalt  }
0x62: {  	_ =	shalt  }
0x63: {  	_ =	shalt  }
0x64: {  	_ =	shalt  }
0x65: {  	_ =	shalt  }
0x66: {  	_ =	shalt  }
0x67: {  	_ =	shalt  }
0x68: {  	_ =	shalt  }
0x69: {  	_ =	shalt  }
0x6a: {  	_ =	shalt  }
0x6b: {  	_ =	shalt  }
0x6c: {  	_ =	shalt  }
0x6d: {  	_ =	shalt  }
0x6e: {  	_ =	shalt  }
0x6f: {  	_ =	shalt  }
0x70: {  	_ =	shalt  }
0x71: {  	_ =	shalt  }
0x72: {  	_ =	shalt  }
0x73: {  	_ =	shalt  }
0x74: {  	_ =	shalt  }
0x75: {  	_ =	shalt  }
0x76: {  	_ =	shalt  }
0x77: {  	_ =	shalt  }
0x78: {  	_ =	shalt  }
0x79: {  	_ =	shalt  }
0x7a: {  	_ =	shalt  }
0x7b: {  	_ =	shalt  }
0x7c: {  	_ =	shalt  }
0x7d: {  	_ =	shalt  }
0x7e: {  	_ =	shalt  }
0x7f: {  	_ =	shalt  }
0x80: {  	_ =	shalt  }
0x81: {  	_ =	shalt  }
0x82: {  	_ =	shalt  }
0x83: {  	_ =	shalt  }
0x84: {  	_ =	shalt  }
0x85: {  	_ =	shalt  }
0x86: {  	_ =	shalt  }
0x87: {  	_ =	shalt  }
.Lfunc_end0:
.L_simem_size_0:
called_computation.1_lowered:
.L_overlay_start_0:
0x88: {  	s2 =	sld [smem:$0x3FD9]  }
0x89: {  	s3 =	sld [smem:$0x3FFE];
	_ =	sdelay $0x1  }
0x8a: {  	s1 =	srdreg.scid  }
0x8b: {  	s0 =	sand.u32 $0x1, s1  }
0x8c: {  	s17 =	sshll.u32 s0, $0xA;
	s2 =	sadd.s32 s3, s2  }
0x8d: {  	s2 =	sadd.s32 s2, s17  }
0x8e: {  	[smem:$0x3FC6] =	sst s2  }
0x8f: {  	_ = 	snop  }
0x90: {  	s2 =	sld [smem:$0x3FD0];
	(tm) =	ssettm $0x1  }
0x91: {  	s18 =	sld [smem:$0x3FFB];
	_ =	sdelay $0x3  }
0x92: {  	_ =	strace s18  }
0x93: {  	s3 =	sld [smem:$0x3FFC];
	_ =	sdelay $0x3  }
0x94: {  	_ =	strace s3  }
0x95: {  	s3 =	sld [smem:$0x3FFD];
	_ =	sdelay $0x3  }
0x96: {  	_ =	strace s3  }
0x97: {  	_ =	strace $0x8FFFFFFF  }
0x98: {  	s19 =	sld [smem:$0x3FDB];
	_ =	sdelay $0x1  }
0x99: {  	s4 =	simm.s32 $_scs_section_size  }
0x9a: {  	s5 =	simm.s32 $_size__tile_overlayer_lowered;
	s6 =	simm.s32 $_tile_overlayer_lowered  }
0x9b: {  	s22 =	simm.s32 $0x1BFF;
	s21 =	sshll.u32 s6, $0x1;
	s3 =	sadd.s32 s4, s19  }
0x9c: {  	s7 =	simm.s32 $0x0;
	s20 =	sshll.u32 s5, $0x1;
	s5 =	sadd.s32 s21, s3  }
0x9d: {  	[timem:s7], [sflag:s22] =	dma.local [hbm:s5], s20  }
0x9e: {  	_ =	swait.ge [sflag:s22], s20  }
0x9f: {  	s4 =	ssub.s32 $0x0, s20;
	[sflag:s22] =	ssyncset.done $0x0  }
0xa0: {  	[sflag:s22] =	ssyncadd.s32 s4;
	_ =	sdelay $0x1  }
0xa1: {  	s23 =	simm.s32 $0x1B8B  }
0xa2: {  	_ =	swait.ge [sflag:s23], $0x1  }
0xa3: {  	[sflag:s23] =	ssyncset.done $0x0  }
0xa4: {  	s25 =	simm.s32 $0x1B8E;
	s24 =	sld [smem:$0x3FFE];
	[sflag:s23] =	ssyncadd.s32 $0xFFFFFFFF  }
0xa5: {  	s26 =	simm.s32 $execute0_lowered;
	[smem:$0x3FD2] =	sst s25  }
0xa6: {  	s5 =	sshll.u32 s26, $0x1;
	_ =	strace $0x80000046;
	[dreg:$0x1] =	wrdreg $0xFFFFFFFF  }
0xa7: {  	s28 =	simm.s32 $_size_execute0_lowered;
	s3 =	sadd.s32 s3, s5;
	[dreg:$0x0] =	wrdreg $0x0  }
0xa8: {  	s5 =	sshll.u32 s28, $0x1;
	[dreg:$0x2] =	wrdreg s3  }
0xa9: {  	[dreg:$0x3] =	wrdreg s5  }
0xaa: {  	[dreg:$0x4] =	wrdreg $0xC0  }
0xab: {  	_ =	task [dreg:s7], $0x5FFFF  }
0xac: {  	[dreg:$0x1] =	wrdreg $0xFFFFFFFF  }
0xad: {  	[dreg:$0x0] =	wrdreg $0x60  }
0xae: {  	[dreg:$0x2] =	wrdreg s24  }
0xaf: {  	[dreg:$0x3] =	wrdreg s2  }
0xb0: {  	[dreg:$0x4] =	wrdreg $0x9  }
0xb1: {  	_ =	task.clear_ibuf [dreg:s7], $0x5FFFF;
	_ =	strace $0x90000046  }
0xb2: {  	s29 =	simm.s32 $0x9;
	_ =	strace $0x80000048  }
0xb3: {  	_ =	swait.ge [sflag:s29], $0x1  }
0xb4: {  	[sflag:s29] =	ssyncadd.s32 $0xFFFFFFFF  }
0xb5: {  	_ =	strace $0x90000048  }
0xb6: {  	_ =	sfence  }
0xb7: {  	s30 =	sld [smem:$0x0];
	_ =	sdelay $0x2  }
0xb8: {  	s31 =	sshll.u32 s1, $0xD;
	s1 =	sshrl.u32 s1, $0x2  }
0xb9: {  	s3 =	sand.u32 $0x4000, s31;
	s1 =	sadd.s32 s1, s30  }
0xba: {  	s0 =	sor.u32 s3, s0;
	s1 =	sshll.u32 s1, $0x11  }
0xbb: {  	s0 =	sor.u32 s1, s0  }
0xbc: {  	s0 =	sadd.s32 $0x8F2B, s0  }
0xbd: {  	[sflag:s0] =	ssyncadd.remote.s32 $0x1  }
0xbe: {  	_ =	sfence.sel $0xFFFF  }
0xbf: {  	[dreg:$0x0] =	wrdreg $0xFFFFFFFF;
	(pc) =	sbr.abs _section_cstart, $3  }
0xc0: {  	[dreg:$0x1] =	wrdreg $0xFFFFFFFF  }
0xc1: {  	_ =	task.clear_ibuf [dreg:s7], $0x2FFFF;
	_ =	strace $0x9FFFFFFF  }
0xc2: {  	(tm) =	ssettm $0x7FFFFFFF  }
0xc3: {  	_ =	shalt  }
tec
execute0_lowered:
.L_overlay_start_1:
0x0: {  	(tag) =	ssettag $0x1  }
0x1: {  	s0 =	rddreg [dreg:$0x0]  }
0x2: {  	s8 =	rddreg [dreg:$0x1]  }
0x3: {  	s2 =	srdreg.scid;
	s1 =	stileid.u32  }
0x4: {  	s12 =	simm.s32 $0x4000;
	s13 =	simm.s32 $0x9;
	s14 =	simm.s32 $0x100  }
0x5: {  	s15 =	simm.s32 $0x6400;
	s16 =	simm.s32 $0xA400;
	s17 =	simm.s32 $0xE400  }
0x6: {  	s18 =	simm.s32 $0x300;
	s19 =	simm.s32 $0x12400;
	s20 =	simm.s32 $0x1  }
0x7: {  	s21 =	simm.s32 $0x5;
	s22 =	simm.s32 $0x2;
	s23 =	simm.s32 $0x6  }
0x8: {  	s24 =	simm.s32 $0x3;
	s25 =	simm.s32 $0x7;
	s26 =	simm.s32 $0x4  }
0x9: {  	s28 =	simm.s32 $0x8;
	s29 =	simm.s32 $0x0;
	s9 =	sand.u32 $0x1, s2  }
0xa: {  	s2 =	simm.s32 $0x0;
	s3 =	sshll.u32 s1, $0xA;
	s10 =	sshll.u32 s1, $0xD  }
0xb: {  	s4 =	sshll.u32 s9, $0x9;
	[smem:$0x7FF] =	sst s2;
	s5 =	ssub.s32 $0x2, s9  }
0xc: {  	s10 =	sadd.s32 s10, s8;
	s11 =	sshll.u32 s9, $0xC;
	s3 =	sor.u32 s4, s3  }
0xd: {  	_ =	strace $0x80000047;
	s30 =	sshrl.u32 s5, $0x1;
	s10 =	sadd.s32 s11, s10  }
0xe: {  	s11 =	simm.s32 $0x200;
	s4 =	sshrl.u32 s3, $0x3;
	s7 =	sshll.u32 s3, $0x3  }
0xf: {  	s3 =	sadd.s32 $0xF42E00, s0;
	s6 =	sadd.s32 s4, s0;
	s4 =	sadd.s32 s8, s7  }
0x10: {  	s31 =	ssub.s32 s5, s30;
	s5 =	sadd.s32 $0xA00, s6;
	s6 =	sadd.s32 $0x600800, s4  }
0x11: {  	s9 =	smax.u32 s31, $0x1;
	s7 =	sadd.s32 $0x620000, s4;
	s8 =	sadd.s32 $0x620800, s4  }
.LBB2_1:
0x12: {  	[tilespmem:s2], [sflag:$0x9] =	stream.strided.gather [hbm4b:s5+s11], $0x6400, s12, s11, $0x38;
	[tilespmem:$0x16400] =	vst v63  }
0x13: {  	_ =	swait.ge [sflag:s13], $0x6400  }
0x14: {  	[sflag:s13] =	ssyncset.done $0x0  }
0x15: {  	[sflag:s13] =	ssyncadd.s32 $0xFFFF9C00  }
0x16: {  	[tilespmem:s15], [sflag:$0x1] =	stream.indirect.gather [hbm4b:s3+s14], $0x40, s2, s14, $0xb8;
	[tilespmem:$0x16400] =	vst v63  }
0x17: {  	_ = 	snop  }
0x18: {  	[tilespmem:s16], [sflag:$0x2] =	stream.indirect.gather [hbm4b:s3+s14], $0x40, s14, s14, $0xb8;
	[tilespmem:$0x16400] =	vst v63  }
0x19: {  	_ = 	snop  }
0x1a: {  	[tilespmem:s17], [sflag:$0x3] =	stream.indirect.gather [hbm4b:s3+s14], $0x40, s11, s14, $0xb8;
	[tilespmem:$0x16400] =	vst v63  }
0x1b: {  	_ = 	snop  }
0x1c: {  	[tilespmem:s19], [sflag:$0x4] =	stream.indirect.gather [hbm4b:s3+s14], $0x40, s18, s14, $0xb8;
	[tilespmem:$0x16400] =	vst v63  }
0x1d: {  	_ =	swait.ge [sflag:s20], $0x4000  }
0x1e: {  	[sflag:s20] =	ssyncset.done $0x0  }
0x1f: {  	[sflag:s20] =	ssyncadd.s32 $0xFFFFC000  }
0x20: {  	[hbm4b:s4+s2] =	stream.linear.scatter [tilespmem:s15], [sflag:$0x5], $0x4000, $0x38;
	[tilespmem:$0x16400] =	vst v63  }
0x21: {  	_ =	swait.ge [sflag:s21], $0x4000  }
0x22: {  	[sflag:s21] =	ssyncset.done $0x0  }
0x23: {  	s0 =	simm.s32 $0x400;
	[sflag:s21] =	ssyncadd.s32 $0xFFFFC000  }
0x24: {  	[tilespmem:s15], [sflag:$0x1] =	stream.indirect.gather [hbm4b:s3+s14], $0x40, s0, s14, $0xb8;
	[tilespmem:$0x16400] =	vst v63  }
0x25: {  	_ =	swait.ge [sflag:s22], $0x4000  }
0x26: {  	s1 =	sadd.s32 $0x0, s10;
	[sflag:s22] =	ssyncset.done $0x0  }
0x27: {  	s30 =	sadd.s32 $0x800, s1;
	[sflag:s22] =	ssyncadd.s32 $0xFFFFC000  }
0x28: {  	[hbm4b:s30+s2] =	stream.linear.scatter [tilespmem:s16], [sflag:$0x6], $0x4000, $0x38;
	[tilespmem:$0x16400] =	vst v63  }
0x29: {  	_ =	swait.ge [sflag:s23], $0x4000  }
0x2a: {  	[sflag:s23] =	ssyncset.done $0x0  }
0x2b: {  	s30 =	simm.s32 $0x500;
	[sflag:s23] =	ssyncadd.s32 $0xFFFFC000  }
0x2c: {  	[tilespmem:s16], [sflag:$0x2] =	stream.indirect.gather [hbm4b:s3+s14], $0x40, s30, s14, $0xb8;
	[tilespmem:$0x16400] =	vst v63  }
0x2d: {  	_ =	swait.ge [sflag:s24], $0x4000  }
0x2e: {  	[sflag:s24] =	ssyncset.done $0x0  }
0x2f: {  	s30 =	sadd.s32 $0x20000, s1;
	[sflag:s24] =	ssyncadd.s32 $0xFFFFC000  }
0x30: {  	[hbm4b:s30+s2] =	stream.linear.scatter [tilespmem:s17], [sflag:$0x7], $0x4000, $0x38;
	[tilespmem:$0x16400] =	vst v63  }
0x31: {  	_ =	swait.ge [sflag:s25], $0x4000  }
0x32: {  	[sflag:s25] =	ssyncset.done $0x0  }
0x33: {  	s30 =	simm.s32 $0x600;
	[sflag:s25] =	ssyncadd.s32 $0xFFFFC000  }
0x34: {  	[tilespmem:s17], [sflag:$0x3] =	stream.indirect.gather [hbm4b:s3+s14], $0x40, s30, s14, $0xb8;
	[tilespmem:$0x16400] =	vst v63  }
0x35: {  	_ =	swait.ge [sflag:s26], $0x4000  }
0x36: {  	[sflag:s26] =	ssyncset.done $0x0  }
0x37: {  	s30 =	sadd.s32 $0x20800, s1;
	[sflag:s26] =	ssyncadd.s32 $0xFFFFC000  }
0x38: {  	[hbm4b:s30+s2] =	stream.linear.scatter [tilespmem:s19], [sflag:$0x8], $0x4000, $0x38;
	[tilespmem:$0x16400] =	vst v63  }
0x39: {  	_ =	swait.ge [sflag:s28], $0x4000  }
0x3a: {  	[sflag:s28] =	ssyncset.done $0x0  }
0x3b: {  	s30 =	simm.s32 $0x700;
	[sflag:s28] =	ssyncadd.s32 $0xFFFFC000  }
0x3c: {  	[tilespmem:s19], [sflag:$0x4] =	stream.indirect.gather [hbm4b:s3+s14], $0x40, s30, s14, $0xb8;
	[tilespmem:$0x16400] =	vst v63  }
0x3d: {  	_ =	swait.ge [sflag:s20], $0x4000  }
0x3e: {  	s31 =	simm.s32 $0x800;
	[sflag:s20] =	ssyncset.done $0x0  }
0x3f: {  	s0 =	sadd.s32 $0x40000, s1;
	s30 =	simm.s32 $0x40000;
	[sflag:s20] =	ssyncadd.s32 $0xFFFFC000  }
.LBB2_2:
0x40: {  	[hbm4b:s0+s2] =	stream.linear.scatter [tilespmem:s15], [sflag:$0x5], $0x4000, $0x38;
	[tilespmem:$0x16400] =	vst v63  }
0x41: {  	s0 =	smov.u32 s30  }
0x42: {  	p0 =	sne.s32 s30, $0x5C0000;
	s30 =	sadd.s32 $0x40000, s30;
	_ =	swait.ge [sflag:s21], $0x4000  }
0x43: {  	[sflag:s21] =	ssyncset.done $0x0  }
0x44: {  	[sflag:s21] =	ssyncadd.s32 $0xFFFFC000  }
0x45: {  	[tilespmem:s15], [sflag:$0x1] =	stream.indirect.gather [hbm4b:s3+s14], $0x40, s31, s14, $0xb8;
	[tilespmem:$0x16400] =	vst v63  }
0x46: {  	_ =	swait.ge [sflag:s22], $0x4000  }
0x47: {  	s0 =	sadd.s32 s0, s10;
	[sflag:s22] =	ssyncset.done $0x0  }
0x48: {  	s1 =	sadd.s32 $0x800, s0;
	[sflag:s22] =	ssyncadd.s32 $0xFFFFC000  }
0x49: {  	[hbm4b:s1+s2] =	stream.linear.scatter [tilespmem:s16], [sflag:$0x6], $0x4000, $0x38;
	[tilespmem:$0x16400] =	vst v63  }
0x4a: {  	_ =	swait.ge [sflag:s23], $0x4000  }
0x4b: {  	[sflag:s23] =	ssyncset.done $0x0  }
0x4c: {  	s1 =	sadd.s32 $0x100, s31;
	[sflag:s23] =	ssyncadd.s32 $0xFFFFC000  }
0x4d: {  	[tilespmem:s16], [sflag:$0x2] =	stream.indirect.gather [hbm4b:s3+s14], $0x40, s1, s14, $0xb8;
	[tilespmem:$0x16400] =	vst v63  }
0x4e: {  	_ =	swait.ge [sflag:s24], $0x4000  }
0x4f: {  	[sflag:s24] =	ssyncset.done $0x0  }
0x50: {  	s1 =	sadd.s32 $0x20000, s0;
	[sflag:s24] =	ssyncadd.s32 $0xFFFFC000  }
0x51: {  	[hbm4b:s1+s2] =	stream.linear.scatter [tilespmem:s17], [sflag:$0x7], $0x4000, $0x38;
	[tilespmem:$0x16400] =	vst v63  }
0x52: {  	_ =	swait.ge [sflag:s25], $0x4000  }
0x53: {  	[sflag:s25] =	ssyncset.done $0x0  }
0x54: {  	s1 =	sadd.s32 $0x200, s31;
	[sflag:s25] =	ssyncadd.s32 $0xFFFFC000  }
0x55: {  	[tilespmem:s17], [sflag:$0x3] =	stream.indirect.gather [hbm4b:s3+s14], $0x40, s1, s14, $0xb8;
	[tilespmem:$0x16400] =	vst v63  }
0x56: {  	_ =	swait.ge [sflag:s26], $0x4000  }
0x57: {  	[sflag:s26] =	ssyncset.done $0x0  }
0x58: {  	s1 =	sadd.s32 $0x20800, s0;
	[sflag:s26] =	ssyncadd.s32 $0xFFFFC000  }
0x59: {  	[hbm4b:s1+s2] =	stream.linear.scatter [tilespmem:s19], [sflag:$0x8], $0x4000, $0x38;
	[tilespmem:$0x16400] =	vst v63  }
0x5a: {  	_ =	swait.ge [sflag:s28], $0x4000  }
0x5b: {  	[sflag:s28] =	ssyncset.done $0x0  }
.Ltmp0:
0x5c: {  	s1 =	sadd.s32 $0x300, s31;
	[sflag:s28] =	ssyncadd.s32 $0xFFFFC000;
	(pc) =	sbr.rel @p0 .LBB2_2-.Ltmp0, $4  }
0x5d: {  	[tilespmem:s19], [sflag:$0x4] =	stream.indirect.gather [hbm4b:s3+s14], $0x40, s1, s14, $0xb8;
	[tilespmem:$0x16400] =	vst v63  }
0x5e: {  	_ =	swait.ge [sflag:s20], $0x4000  }
0x5f: {  	[sflag:s20] =	ssyncset.done $0x0  }
0x60: {  	s0 =	sadd.s32 $0x40000, s0;
	s31 =	sadd.s32 $0x400, s31;
	[sflag:s20] =	ssyncadd.s32 $0xFFFFC000  }
0x61: {  	[hbm4b:s0+s2] =	stream.linear.scatter [tilespmem:s15], [sflag:$0x5], $0x4000, $0x38;
	[tilespmem:$0x16400] =	vst v63  }
0x62: {  	_ =	swait.ge [sflag:s21], $0x4000  }
0x63: {  	[sflag:s21] =	ssyncset.done $0x0  }
0x64: {  	[sflag:s21] =	ssyncadd.s32 $0xFFFFC000  }
0x65: {  	_ =	swait.ge [sflag:s22], $0x4000  }
0x66: {  	[sflag:s22] =	ssyncset.done $0x0  }
0x67: {  	[sflag:s22] =	ssyncadd.s32 $0xFFFFC000  }
0x68: {  	[hbm4b:s6+s2] =	stream.linear.scatter [tilespmem:s16], [sflag:$0x6], $0x4000, $0x38;
	[tilespmem:$0x16400] =	vst v63  }
0x69: {  	_ =	swait.ge [sflag:s24], $0x4000  }
0x6a: {  	[sflag:s24] =	ssyncset.done $0x0  }
0x6b: {  	[sflag:s24] =	ssyncadd.s32 $0xFFFFC000  }
0x6c: {  	[hbm4b:s7+s2] =	stream.linear.scatter [tilespmem:s17], [sflag:$0x7], $0x4000, $0x38;
	[tilespmem:$0x16400] =	vst v63  }
0x6d: {  	_ =	swait.ge [sflag:s26], $0x4000  }
0x6e: {  	[sflag:s26] =	ssyncset.done $0x0  }
0x6f: {  	[sflag:s26] =	ssyncadd.s32 $0xFFFFC000  }
0x70: {  	[hbm4b:s8+s2] =	stream.linear.scatter [tilespmem:s19], [sflag:$0x8], $0x4000, $0x38;
	[tilespmem:$0x16400] =	vst v63  }
0x71: {  	_ =	swait.ge [sflag:s23], $0x4000  }
0x72: {  	[sflag:s23] =	ssyncset.done $0x0  }
0x73: {  	s29 =	sadd.s32 $0x1, s29;
	[sflag:s23] =	ssyncadd.s32 $0xFFFFC000  }
0x74: {  	p0 =	sne.s32 s29, s9;
	_ =	swait.ge [sflag:s25], $0x4000  }
.Ltmp1:
0x75: {  	[sflag:s25] =	ssyncset.done $0x0;
	(pc) =	sbr.rel @p0 .LBB2_1-.Ltmp1, $4  }
0x76: {  	[sflag:s25] =	ssyncadd.s32 $0xFFFFC000  }
0x77: {  	_ =	swait.ge [sflag:s28], $0x4000  }
0x78: {  	[sflag:s28] =	ssyncset.done $0x0  }
0x79: {  	[sflag:s28] =	ssyncadd.s32 $0xFFFFC000  }
0x7a: {  	_ =	sfence.sel $0x180000  }
0x7b: {  	[bflag:$0x0] =	sbarrier.arrive $0xFFFF  }
0x7c: {  	_ =	strace $0x90000047  }
0x7d: {  	s0 =	stileid.u32;
	[bflag:$0x2] =	sbarrier.arrive $0xFFFF  }
0x7e: {  	p0 =	sne.s32 s0, $0x0;
	s0 =	rddreg [dreg:$0x2]  }
0x7f: {  	s0 =	sadd.s32 @!p0 $0x100000, s0  }
0x80: {  	[sflag:s0] =	ssyncadd.tile.s32 @!p0 $0x1;
	_ =	shalt  }
.Lfunc_end2:
_tile_overlayer_lowered:
.L_overlay_start_2:
0x81: {  	(tag) =	ssettag $0x2  }
0x82: {  	s0 =	rddreg [dreg:$0x0];
	s2 =	stileid.u32  }
0x83: {  	s1 =	rddreg [dreg:$0x1];
	p0 =	sne.s32 s2, $0x0  }
0x84: {  	s3 =	rddreg [dreg:$0x2];
	[bflag:$0x3] =	sbarrier.arrive $0xFFFF;
	s2 =	simm.s32 @!p0 $0x1C09  }
0x85: {  	[timem:s3], [sflag:s2] =	dma.local @!p0 [hbm:s0], s1  }
0x86: {  	s0 =	simm.s32 @!p0 $0x9  }
0x87: {  	_ =	swait.ge @!p0 [sflag:s0], s1  }
0x88: {  	s1 =	ssub.s32 @!p0 $0x0, s1;
	[sflag:s0] =	ssyncset.done @!p0 $0x0  }
0x89: {  	[sflag:s0] =	ssyncadd.s32 @!p0 s1  }
0x8a: {  	[bflag:$0x3] =	sbarrier.arrive $0xFFFF  }
0x8b: {  	_ =	shalt  }

// kernel: sparse-core-data-format-call.cloned.1.call-start
scs
called_computation_lowered:
.L_overlay_start_0:
0x0: {  	s2 =	sld [smem:$0x3FD9]  }
0x1: {  	s3 =	sld [smem:$0x3FFE];
	_ =	sdelay $0x1  }
0x2: {  	s1 =	srdreg.scid  }
0x3: {  	s0 =	sand.u32 $0x1, s1  }
0x4: {  	s18 =	sshll.u32 s0, $0xA;
	s2 =	sadd.s32 s3, s2  }
0x5: {  	s2 =	sadd.s32 s2, s18  }
0x6: {  	[smem:$0x3FC6] =	sst s2  }
0x7: {  	_ = 	snop  }
0x8: {  	s2 =	sld [smem:$0x3FD0];
	(tm) =	ssettm $0x1  }
0x9: {  	s19 =	sld [smem:$0x3FFB];
	_ =	sdelay $0x3  }
0xa: {  	_ =	strace s19  }
0xb: {  	s3 =	sld [smem:$0x3FFC];
	_ =	sdelay $0x3  }
0xc: {  	_ =	strace s3  }
0xd: {  	s3 =	sld [smem:$0x3FFD];
	_ =	sdelay $0x3  }
0xe: {  	_ =	strace s3  }
0xf: {  	_ =	strace $0x8FFFFFFF  }
0x10: {  	s20 =	sld [smem:$0x3FDB];
	_ =	sdelay $0x1  }
0x11: {  	s4 =	simm.s32 $_scs_section_size  }
0x12: {  	s5 =	simm.s32 $_size__tile_overlayer_lowered;
	s6 =	simm.s32 $_tile_overlayer_lowered  }
0x13: {  	s23 =	simm.s32 $0x1BFF;
	s22 =	sshll.u32 s6, $0x1;
	s3 =	sadd.s32 s4, s20  }
0x14: {  	s7 =	simm.s32 $0x0;
	s21 =	sshll.u32 s5, $0x1;
	s5 =	sadd.s32 s22, s3  }
0x15: {  	[timem:s7], [sflag:s23] =	dma.local [hbm:s5], s21  }
0x16: {  	_ =	swait.ge [sflag:s23], s21  }
0x17: {  	s4 =	ssub.s32 $0x0, s21;
	[sflag:s23] =	ssyncset.done $0x0  }
0x18: {  	[sflag:s23] =	ssyncadd.s32 s4;
	_ =	sdelay $0x1  }
0x19: {  	s24 =	simm.s32 $0x1B8B  }
0x1a: {  	_ =	swait.ge [sflag:s24], $0x1  }
0x1b: {  	[sflag:s24] =	ssyncset.done $0x0  }
0x1c: {  	s26 =	simm.s32 $0x1B8E;
	s25 =	sld [smem:$0x3FFE];
	[sflag:s24] =	ssyncadd.s32 $0xFFFFFFFF  }
0x1d: {  	s27 =	simm.s32 $execute0_lowered;
	[smem:$0x3FD2] =	sst s26  }
0x1e: {  	s5 =	sshll.u32 s27, $0x1;
	_ =	strace $0x80000049;
	[dreg:$0x1] =	wrdreg $0xFFFFFFFF  }
0x1f: {  	s28 =	simm.s32 $_size_execute0_lowered;
	s3 =	sadd.s32 s3, s5;
	[dreg:$0x0] =	wrdreg $0x0  }
0x20: {  	s5 =	sshll.u32 s28, $0x1;
	[dreg:$0x2] =	wrdreg s3  }
0x21: {  	[dreg:$0x3] =	wrdreg s5  }
0x22: {  	[dreg:$0x4] =	wrdreg $0xC0  }
0x23: {  	_ =	task [dreg:s7], $0x5FFFF  }
0x24: {  	[dreg:$0x1] =	wrdreg $0xFFFFFFFF  }
0x25: {  	[dreg:$0x0] =	wrdreg $0x60  }
0x26: {  	[dreg:$0x2] =	wrdreg s25  }
0x27: {  	[dreg:$0x3] =	wrdreg s2  }
0x28: {  	[dreg:$0x4] =	wrdreg $0x9  }
0x29: {  	_ =	task.clear_ibuf [dreg:s7], $0x5FFFF;
	_ =	strace $0x90000049  }
0x2a: {  	s29 =	simm.s32 $0x9;
	_ =	strace $0x8000004B  }
0x2b: {  	_ =	swait.ge [sflag:s29], $0x1  }
0x2c: {  	[sflag:s29] =	ssyncadd.s32 $0xFFFFFFFF  }
0x2d: {  	_ =	strace $0x9000004B  }
0x2e: {  	_ =	sfence  }
0x2f: {  	s30 =	sld [smem:$0x0];
	_ =	sdelay $0x2  }
0x30: {  	s31 =	sshll.u32 s1, $0xD;
	s1 =	sshrl.u32 s1, $0x2  }
0x31: {  	s3 =	sand.u32 $0x4000, s31;
	s1 =	sadd.s32 s1, s30  }
0x32: {  	s0 =	sor.u32 s3, s0;
	s1 =	sshll.u32 s1, $0x11  }
0x33: {  	s0 =	sor.u32 s1, s0  }
0x34: {  	s0 =	sadd.s32 $0x8F2B, s0  }
0x35: {  	[sflag:s0] =	ssyncadd.remote.s32 $0x1  }
0x36: {  	_ =	sfence.sel $0xFFFF  }
0x37: {  	[dreg:$0x0] =	wrdreg $0xFFFFFFFF;
	(pc) =	sbr.abs _section_cstart, $3  }
0x38: {  	[dreg:$0x1] =	wrdreg $0xFFFFFFFF  }
0x39: {  	_ =	task.clear_ibuf [dreg:s7], $0x2FFFF;
	_ =	strace $0x9FFFFFFF  }
0x3a: {  	(tm) =	ssettm $0x7FFFFFFF  }
0x3b: {  	_ =	shalt  }
tec
execute0_lowered:
.L_overlay_start_1:
0x0: {  	(tag) =	ssettag $0x1  }
0x1: {  	s0 =	srdreg.scid  }
0x2: {  	s1 =	sshll.u32 s0, $0x4  }
0x3: {  	s0 =	stileid.u32;
	s1 =	sand.u32 $0x10, s1  }
0x4: {  	s7 =	rddreg [dreg:$0x0];
	s1 =	sor.u32 s0, s1  }
0x5: {  	s4 =	simm.s32 $0x1;
	s8 =	simm.s32 $0x2;
	s2 =	sshll.u32 s1, $0x7  }
0x6: {  	s13 =	simm.s32 $0x0;
	s9 =	simm.s32 $0x20000;
	s1 =	ssub.s32 $0x4000, s2  }
0x7: {  	s14 =	simm.s32 $0x0;
	s11 =	simm.s32 $0x0;
	s3 =	sand.u32 $0xF80, s1  }
0x8: {  	s12 =	simm.s32 $0x0;
	s5 =	sshrl.u32 s1, $0xC;
	p0 =	sne.s32 s3, $0x0  }
.Ltmp0:
0x9: {  	s1 =	rddreg [dreg:$0x2];
	s4 =	simm.s32 @!p0 $0x0;
	(pc) =	sbr.rel .LBB1_1-.Ltmp0, $4  }
0xa: {  	s6 =	sadd.s32 $0xA00, s7;
	s3 =	rddreg [dreg:$0x1];
	s5 =	sadd.s32 s4, s5  }
0xb: {  	_ =	strace $0x8000004A;
	s4 =	simm.s32 $0x1;
	s5 =	smul.u32 $0x19, s5  }
0xc: {  	s7 =	sadd.s32 $0x40A00, s7;
	s10 =	smov.u32 s2;
	[sflag:s4] =	ssyncpa.u1 $0x0  }
0xd: {  	p0 =	por $0x0, $0x0;
	[sflag:s8] =	ssyncpa.u1 $0x0;
	s8 =	sadd.s32 $0x1, s5  }
.LBB1_7:
0xe: {  	s15 =	sadd.s32 $0x1000, s10  }
0xf: {  	s13 =	sadd.s32 $0x2, s11;
	s17 =	smov.u32 s11;
	p2 =	sgt.s32 s15, $0x3FFF  }
0x10: {  	s17 =	smov.u32 @p2 s13  }
0x11: {  	s15 =	smov.u32 @p2 s2;
	p2 =	sgt.s32 s17, $0x31  }
0x12: {  	s17 =	simm.s32 @p2 $0x0;
	p2 =	sne.s32 s12, s8  }
.Ltmp1:
0x13: {  	p1 =	slt.u32 s12, $0x2;
	(pc) =	sbr.rel @!p2 .LBB1_8-.Ltmp1, $4  }
0x14: {  	s16 =	simm.s32 @!p1 $0x2  }
0x15: {  	s14 =	smov.u32 s11;
	p0 =	por !p0, !p0;
	_ =	swait.ge @!p1 [sflag:s16], $0x4000  }
0x16: {  	s13 =	smov.u32 s10;
	[sflag:s16] =	ssyncset.done @!p1 $0x0;
	s10 =	smov.u32 s15  }
0x17: {  	s12 =	sadd.s32 $0x1, s12;
	[sflag:s16] =	ssyncadd.s32 @!p1 $0xFFFFC000;
	s11 =	smov.u32 s17  }
.LBB1_1:
0x18: {  	p1 =	sge.u32 s12, s5  }
0x19: {  	s15 =	sxor.u32 @!p1 $0xFFFFFFFF, s12;
	s16 =	sshll.u32 @!p1 s11, $0x12  }
0x1a: {  	s17 =	sshll.u32 @!p1 s10, $0x4;
	s19 =	simm.s32 @!p1 $0x40;
	s20 =	simm.s32 @!p1 $0x80  }
0x1b: {  	s15 =	sshll.u32 @!p1 s15, $0xE;
	s17 =	sand.u32 @!p1 $0x3FFF0, s17;
	s18 =	sadd.s32 @!p1 s6, s16  }
0x1c: {  	s16 =	sadd.s32 @!p1 s16, s7;
	s15 =	sand.u32 @!p1 $0x4000, s15;
	s18 =	sadd.s32 @!p1 s17, s18  }
0x1d: {  	[tilespmem:s15], [sflag:$0x1] =	stream.strided.gather @!p1 [hbm4b:s18+s19], $0x2000, s20, s19, $0x38;
	[tilespmem:$0x10100] =	vst v63  }
0x1e: {  	s31 =	sadd.s32 $0xFFFFFFFF, s12;
	s16 =	sadd.s32 @!p1 s17, s16;
	s15 =	sor.u32 @!p1 $0x2000, s15  }
0x1f: {  	[tilespmem:s15], [sflag:$0x1] =	stream.strided.gather @!p1 [hbm4b:s16+s19], $0x2000, s20, s19, $0x38;
	[tilespmem:$0x10100] =	vst v63  }
0x20: {  	p1 =	sge.u32 s31, s5  }
.Ltmp2:
0x21: {  	_ = 	snop;
	(pc) =	sbr.rel @p1 .LBB1_7-.Ltmp2, $1  }
0x22: {  	_ =	sdelay $0x3  }
0x23: {  	s15 =	simm.s32 $0x1;
	s17 =	sand.u32 $0x1, s12  }
0x24: {  	_ =	swait.ge [sflag:s4], $0x4000;
	s15 =	simm.s32 @!p0 $0x0;
	s17 =	smul.u32 $0x10200, s17  }
0x25: {  	p2 =	por $0x1, $0x1;
	[sflag:s4] =	ssyncset.done $0x0;
	s16 =	smul.u32 $0x10200, s15  }
0x26: {  	s18 =	sshll.u32 s15, $0x10;
	[sflag:s4] =	ssyncadd.s32 $0xFFFFC000;
	s30 =	sshrl.u32 s17, $0x2  }
0x27: {  	s31 =	sshrl.u32 s18, $0x2;
	s18 =	simm.s32 $0x0;
	s16 =	sshrl.u32 s16, $0x2  }
0x28: {  	s15 =	sor.u32 $0x8000, s30;
	s17 =	sadd.s32 $0x20, s31;
	s16 =	sor.u32 $0x8000, s16  }
.LBB1_3:
0x29: {  	s19 =	sshll.u32 s18, $0xD  }
0x2a: {  	s19 =	sand.u32 $0x3FFFE000, s19  }
0x2b: {  	s21 =	sadd.s32 s19, s17  }
0x2c: {  	s31 =	smul.u32 $0x8100, s18;
	v3 =	vld [tilespmem:s21+$0x10]  }
0x2d: {  	v1 =	vld [tilespmem:s21+$0xFFFFFFF0]  }
0x2e: {  	s18 =	sshra.s32 s31, $0x2;
	v0 =	vld [tilespmem:s21+$0x0]  }
0x2f: {  	s18 =	sadd.s32 s18, s16;
	v2 =	vld [tilespmem:s21+$0xFFFFFFE0]  }
0x30: {  	s19 =	sadd.s32 $0x0, s18  }
0x31: {  	p1 =	por p2, p2;
	s20 =	simm.s32 $0x4;
	s21 =	sadd.s32 $0x40, s21;
	[tilespmem:s19+$0x1830 ss:$0x81] =	vst.msk $0xffff, v3  }
.LBB1_4:
0x32: {  	v3 =	vld [tilespmem:s21+$0x10];
	p2 =	sne.s32 s20, $0x1FC;
	[tilespmem:s19+$0x810 ss:$0x81] =	vst.msk $0xffff, v1;
	s22 =	smov.u32 s20;
	s20 =	sadd.s32 $0x4, s20  }
.Ltmp3:
0x33: {  	v1 =	vld [tilespmem:s21+$0xFFFFFFF0];
	[tilespmem:s19+$0x1020 ss:$0x81] =	vst.msk $0xffff, v0;
	(pc) =	sbr.rel @p2 .LBB1_4-.Ltmp3, $4  }
0x34: {  	v0 =	vld [tilespmem:s21+$0x0];
	[tilespmem:s19+$0x0 ss:$0x81] =	vst.msk $0xffff, v2  }
0x35: {  	s19 =	sshra.s32 s22, $0x2;
	v2 =	vld [tilespmem:s21+$0xFFFFFFE0]  }
0x36: {  	s19 =	sadd.s32 s19, s18  }
0x37: {  	s21 =	sadd.s32 $0x40, s21;
	[tilespmem:s19+$0x1830 ss:$0x81] =	vst.msk $0xffff, v3  }
.Ltmp4:
0x38: {  	(pc) =	sbr.rel @p1 .LBB1_3-.Ltmp4, $4  }
0x39: {  	_ = 	snop  }
0x3a: {  	[tilespmem:s19+$0x810 ss:$0x81] =	vst.msk $0xffff, v1  }
0x3b: {  	[tilespmem:s19+$0x1020 ss:$0x81] =	vst.msk $0xffff, v0  }
0x3c: {  	s18 =	simm.s32 $0x1;
	p2 =	por $0x0, $0x0;
	[tilespmem:s19+$0x0 ss:$0x81] =	vst.msk $0xffff, v2  }
0x3d: {  	s16 =	sshll.u32 s13, $0x3;
	s17 =	sand.u32 $0x78, s13;
	s14 =	sshll.u32 s14, $0x11  }
.Ltmp5:
0x3e: {  	s30 =	sand.u32 $0x1F800, s13;
	s16 =	sand.u32 $0x3C00, s16;
	(pc) =	sbr.rel .LBB1_7-.Ltmp5, $4  }
0x3f: {  	s31 =	sand.u32 $0x7, s13;
	s14 =	sadd.s32 s3, s14;
	s16 =	sor.u32 s17, s16  }
0x40: {  	s13 =	sshll.u32 s31, $0x12;
	s14 =	sadd.s32 s30, s14;
	s16 =	sshrl.u32 s16, $0x3  }
0x41: {  	s13 =	sor.u32 $0x400, s13;
	s14 =	sadd.s32 s16, s14  }
0x42: {  	[hbm4b:s14+s13] =	stream.strided.scatter [tilespmem:s15], [sflag:$0x2], $0x4000, s9, s13, $0x20;
	[tilespmem:$0x10100] =	vst v63  }
.LBB1_8:
0x43: {  	_ =	sfence.sel $0x180000  }
0x44: {  	s2 =	simm.s32 $0x1;
	[bflag:$0x0] =	sbarrier.arrive $0xFFFF  }
0x45: {  	s31 =	simm.s32 $0x2;
	[sflag:s2] =	ssyncpa.u1 $0x1  }
0x46: {  	[sflag:s31] =	ssyncpa.u1 $0x1  }
0x47: {  	p0 =	sne.s32 s0, $0x0;
	_ =	strace $0x9000004A  }
0x48: {  	s0 =	sadd.s32 @!p0 $0x100000, s1;
	[bflag:$0x2] =	sbarrier.arrive $0xFFFF  }
0x49: {  	[sflag:s0] =	ssyncadd.tile.s32 @!p0 $0x1;
	_ =	shalt  }
.Lfunc_end1:
_tile_overlayer_lowered:
.L_overlay_start_2:
0x4a: {  	(tag) =	ssettag $0x2  }
0x4b: {  	s0 =	rddreg [dreg:$0x0];
	s2 =	stileid.u32  }
0x4c: {  	s1 =	rddreg [dreg:$0x1];
	p0 =	sne.s32 s2, $0x0  }
0x4d: {  	s3 =	rddreg [dreg:$0x2];
	[bflag:$0x3] =	sbarrier.arrive $0xFFFF;
	s2 =	simm.s32 @!p0 $0x1C01  }
0x4e: {  	[timem:s3], [sflag:s2] =	dma.local @!p0 [hbm:s0], s1  }
0x4f: {  	s0 =	simm.s32 @!p0 $0x1  }
0x50: {  	_ =	swait.ge @!p0 [sflag:s0], s1  }
0x51: {  	s1 =	ssub.s32 @!p0 $0x0, s1;
	[sflag:s0] =	ssyncset.done @!p0 $0x0  }
0x52: {  	[sflag:s0] =	ssyncadd.s32 @!p0 s1  }
0x53: {  	[bflag:$0x3] =	sbarrier.arrive $0xFFFF  }
0x54: {  	_ =	shalt  }

</sc_bundles>
